<compile_context>
chip_gen: v7x
topology: tpu7x:2x2x1
jax: 0.10.2.dev20260603
libtpu: 0.0.44.dev20260713+nightly
codegen_flags: <defaults>
</compile_context>

<pallas_src>
import functools

import jax
import jax.numpy as jnp
from jax import lax
from jax.experimental import pallas as pl
from jax.experimental.pallas import tpu as pltpu
from jax.experimental.pallas import tpu_sc as plsc

N = 10000
E = 320000
D = 128

NC = 2
NS = 16
L = 16

DH = D // NC
CHUNK = 128
EPS = -(-E // (NS * CHUNK)) * CHUNK
E_PAD = EPS * NS
NCHUNK = EPS // CHUNK
N_PAD = 10240
RPS = N_PAD // NS
ZROWS = 128


@functools.partial(
    pl.kernel,
    mesh=plsc.VectorSubcoreMesh(core_axis_name="c", subcore_axis_name="s"),
    out_type=jax.ShapeDtypeStruct((NC * N_PAD, DH), jnp.float32),
    compiler_params=pltpu.CompilerParams(use_tc_tiling_on_sc=False),
    scratch_types=[
        pltpu.VMEM((CHUNK,), jnp.int32),
        pltpu.VMEM((CHUNK,), jnp.int32),
        pltpu.VMEM((CHUNK,), jnp.float32),
        pltpu.VMEM((CHUNK, DH), jnp.float32),
        pltpu.VMEM_SHARED((N_PAD, DH), jnp.float32),
        pltpu.VMEM((ZROWS, DH), jnp.float32),
        pltpu.VMEM((RPS, DH), jnp.float32),
        pltpu.VMEM((DH,), jnp.float32),
        pltpu.SemaphoreType.DMA,
    ],
)
def _gcn_sc(featR, rows, cols, vals, wflat, out,
            colb, rowb, valb, msgs, acc, zbuf, obuf, wbuf, sem):
    c = lax.axis_index("c")
    s = lax.axis_index("s")
    coff = c * N
    rbase = s * RPS
    ebase = s * EPS

    zero = jnp.zeros((L,), jnp.float32)
    splat_dnums = lax.GatherDimensionNumbers(
        offset_dims=(), collapsed_slice_dims=(0,), start_index_map=(0,))

    def lane_splat(vv, j):
        return lax.gather(vv, jnp.full((L, 1), j, jnp.int32), splat_dnums,
                          (1,), mode=lax.GatherScatterMode.PROMISE_IN_BOUNDS)

    def zero_row(i, carry):
        for q in range(DH // L):
            zbuf[i, pl.ds(q * L, L)] = zero
        return carry

    lax.fori_loop(0, ZROWS, zero_row, 0)
    for i in range(RPS // ZROWS):
        pltpu.sync_copy(zbuf, acc.at[pl.ds(rbase + i * ZROWS, ZROWS), :])
    plsc.subcore_barrier()

    def chunk_body(k, carry):
        base = ebase + k * CHUNK
        pltpu.sync_copy(cols.at[pl.ds(base, CHUNK)], colb)
        pltpu.sync_copy(rows.at[pl.ds(base, CHUNK)], rowb)
        pltpu.sync_copy(vals.at[pl.ds(base, CHUNK)], valb)
        for g in range(CHUNK // L):
            colb[pl.ds(g * L, L)] = colb[pl.ds(g * L, L)] + coff
        pltpu.async_copy(featR.at[colb], msgs, sem).wait()

        def scale_group(g, carry2):
            vv = valb[pl.ds(g * L, L)]
            for j in range(L):
                sp = lane_splat(vv, j)
                je = g * L + j
                for q in range(DH // L):
                    msgs[je, pl.ds(q * L, L)] = msgs[je, pl.ds(q * L, L)] * sp
            return carry2

        lax.fori_loop(0, CHUNK // L, scale_group, 0)
        pltpu.sync_copy(msgs, acc.at[rowb], add=True)
        return carry

    lax.fori_loop(0, NCHUNK, chunk_body, 0)
    plsc.subcore_barrier()

    pltpu.sync_copy(wflat.at[pl.ds(c * DH, DH)], wbuf)
    pltpu.sync_copy(acc.at[pl.ds(rbase, RPS), :], obuf)

    def finish_row(i, carry):
        for q in range(DH // L):
            wq = wbuf[pl.ds(q * L, L)]
            x = obuf[i, pl.ds(q * L, L)] * wq
            obuf[i, pl.ds(q * L, L)] = jnp.maximum(x, 0.0)
        return carry

    lax.fori_loop(0, RPS, finish_row, 0)
    pltpu.sync_copy(obuf, out.at[pl.ds(c * N_PAD + rbase, RPS), :])


def kernel(adj_indices, adj_values, features, weight):
    idx = adj_indices[0].astype(jnp.int32)
    pad = E_PAD - E
    rows = jnp.concatenate([idx[:, 0], jnp.zeros((pad,), jnp.int32)])
    cols = jnp.concatenate([idx[:, 1], jnp.zeros((pad,), jnp.int32)])
    vals = jnp.concatenate([adj_values[0], jnp.zeros((pad,), jnp.float32)])
    featR = features.reshape(N, NC, DH).transpose(1, 0, 2).reshape(NC * N, DH)
    wflat = weight.reshape(D)
    out2 = _gcn_sc(featR, rows, cols, vals, wflat)
    out2 = out2.reshape(NC, N_PAD, DH)[:, :N, :]
    return out2.transpose(1, 0, 2).reshape(N, D)

# --- scband reference (transcript-rebuilt; emitter-appended) ---
"""Pipeline reference for scband-gcnlayer-67740224192704 (READ-ONLY COPY).

The authoritative reference and input builder live on the scoring server;
editing this copy changes nothing except your own understanding.
"""

import jax, jax.numpy as jnp
import numpy as np

N = 10000
E = 320000
D = 128


def setup_inputs(seed: int = 0) -> dict:
    key = jax.random.key(seed)
    k1, k2, k3 = jax.random.split(key, 3)
    # adjacency indices: [1, E, 2] pairs (row, col), values in [0, N)
    adj_indices = jax.random.randint(k1, (1, E, 2), 0, N)
    # adjacency values (e.g. normalized edge weights): [1, E]
    adj_values = jax.random.uniform(k2, (1, E), dtype=jnp.float32)
    # node features: [N, D]
    features = jax.random.normal(k3, (N, D), dtype=jnp.float32)
    # learned parameter: elementwise kernel of shape (1, in_dim), initialized to ones
    weight = jnp.ones((1, D), dtype=jnp.float32)
    return {"adj_indices": adj_indices, "adj_values": adj_values, "features": features, "weight": weight}


def reference(adj_indices, adj_values, features, weight):
    # squeeze leading batch dim, as in the TF layer
    idx = jnp.squeeze(adj_indices, axis=0)      # [E, 2]
    vals = jnp.squeeze(adj_values, axis=0)      # [E]
    rows = idx[:, 0]
    cols = idx[:, 1]
    # dropout=0.0 -> no-op; h = features * weight (broadcast over rows)
    h = features * weight                       # [N, D]
    # sparse @ dense: out[r] += vals[e] * h[c] for each edge (r, c)
    msgs = vals[:, None] * jnp.take(h, cols, axis=0)   # [E, D]
    out = jax.ops.segment_sum(msgs, rows, num_segments=N)  # [N, D]
    # activation = relu; highway disabled
    out = jax.nn.relu(out)
    return out

if __name__ == "__main__":
    import jax
    _d = setup_inputs()
    print(jax.jit(kernel)(*tuple(_d.values())))

</pallas_src>

<mosaic_0001>
#map = affine_map<(d0, d1) -> (0, 0)>
#map1 = affine_map<(d0, d1) -> (0)>
module attributes {stable_mosaic.version = 14 : i64} {
  func.func @_gcn_sc(%arg0: i32, %arg1: i32, %arg2: memref<20000x64xf32, #tpu.memory_space<hbm>>, %arg3: memref<321536xi32, #tpu.memory_space<hbm>>, %arg4: memref<321536xi32, #tpu.memory_space<hbm>>, %arg5: memref<321536xf32, #tpu.memory_space<hbm>>, %arg6: memref<128xf32, #tpu.memory_space<hbm>>, %arg7: memref<20480x64xf32, #tpu.memory_space<hbm>>, %arg8: memref<128xi32, #tpu.memory_space<vmem>>, %arg9: memref<128xi32, #tpu.memory_space<vmem>>, %arg10: memref<128xf32, #tpu.memory_space<vmem>>, %arg11: memref<128x64xf32, #tpu.memory_space<vmem>>, %arg12: memref<10240x64xf32, #tpu.memory_space<vmem_shared>>, %arg13: memref<128x64xf32, #tpu.memory_space<vmem>>, %arg14: memref<640x64xf32, #tpu.memory_space<vmem>>, %arg15: memref<64xf32, #tpu.memory_space<vmem>>, %arg16: memref<!tpu.dma_semaphore, #tpu.memory_space<semaphore_mem>>) attributes {dimension_semantics = [#tpu.dimension_semantics<core_parallel>, #tpu.dimension_semantics<subcore_parallel>], iteration_bounds = array<i64: 2, 16>, scalar_prefetch = 0 : i64, scratch_operands = 9 : i64, tpu.core_type = #tpu.core_type<sc_vector_subcore>, window_params = [{transform_indices = #map}, {transform_indices = #map1}, {transform_indices = #map1}, {transform_indices = #map1}, {transform_indices = #map1}, {transform_indices = #map}]} {
    %mul3A = arith.constant 10000 : i32
    %mul3A_0 = arith.muli %arg0, %mul3A : i32
    %mul3A_1 = arith.constant 640 : i32
    %mul3A_2 = arith.muli %arg1, %mul3A_1 : i32
    %mul3A_3 = arith.constant 20096 : i32
    %mul3A_4 = arith.muli %arg1, %mul3A_3 : i32
    %broadcast_in_dim3A = arith.constant 0.000000e+00 : f32
    %broadcast_in_dim3A_5 = vector.broadcast %broadcast_in_dim3A : f32 to vector<16xf32>
    %scan3A = arith.constant 0 : i32
    %scan3A_6 = arith.constant 0 : i32
    %scan3A_7 = arith.constant 128 : i32
    %scan3A_8 = arith.addi %scan3A_6, %scan3A_7 : i32
    %scan3A_9 = arith.constant 1 : i32
    scf.for %scan3A_38 = %scan3A_6 to %scan3A_8 step %scan3A_9  : i32 {
      %swap3A = arith.index_cast %scan3A_38 : i32 to index
      %swap3A_39 = arith.constant 0 : index
      %swap3A_40 = tpu.vector_load %arg13[%swap3A, %swap3A_39] {strides = array<i32>} : memref<128x64xf32, #tpu.memory_space<vmem>>, vector<1x16xf32>,
      %swap3A_41 = vector.shape_cast %swap3A_40 : vector<1x16xf32> to vector<16xf32>
      %swap3A_42 = vector.shape_cast %broadcast_in_dim3A_5 : vector<16xf32> to vector<1x16xf32>
      tpu.vector_store %arg13[%swap3A, %swap3A_39], %swap3A_42 {strides = array<i32>} : memref<128x64xf32, #tpu.memory_space<vmem>>, vector<1x16xf32>,
      %swap3A_43 = arith.index_cast %scan3A_38 : i32 to index
      %swap3A_44 = arith.constant 16 : index
      %swap3A_45 = tpu.vector_load %arg13[%swap3A_43, %swap3A_44] {strides = array<i32>} : memref<128x64xf32, #tpu.memory_space<vmem>>, vector<1x16xf32>,
      %swap3A_46 = vector.shape_cast %swap3A_45 : vector<1x16xf32> to vector<16xf32>
      %swap3A_47 = vector.shape_cast %broadcast_in_dim3A_5 : vector<16xf32> to vector<1x16xf32>
      tpu.vector_store %arg13[%swap3A_43, %swap3A_44], %swap3A_47 {strides = array<i32>} : memref<128x64xf32, #tpu.memory_space<vmem>>, vector<1x16xf32>,
      %swap3A_48 = arith.index_cast %scan3A_38 : i32 to index
      %swap3A_49 = arith.constant 32 : index
      %swap3A_50 = tpu.vector_load %arg13[%swap3A_48, %swap3A_49] {strides = array<i32>} : memref<128x64xf32, #tpu.memory_space<vmem>>, vector<1x16xf32>,
      %swap3A_51 = vector.shape_cast %swap3A_50 : vector<1x16xf32> to vector<16xf32>
      %swap3A_52 = vector.shape_cast %broadcast_in_dim3A_5 : vector<16xf32> to vector<1x16xf32>
      tpu.vector_store %arg13[%swap3A_48, %swap3A_49], %swap3A_52 {strides = array<i32>} : memref<128x64xf32, #tpu.memory_space<vmem>>, vector<1x16xf32>,
      %swap3A_53 = arith.index_cast %scan3A_38 : i32 to index
      %swap3A_54 = arith.constant 48 : index
      %swap3A_55 = tpu.vector_load %arg13[%swap3A_53, %swap3A_54] {strides = array<i32>} : memref<128x64xf32, #tpu.memory_space<vmem>>, vector<1x16xf32>,
      %swap3A_56 = vector.shape_cast %swap3A_55 : vector<1x16xf32> to vector<16xf32>
      %swap3A_57 = vector.shape_cast %broadcast_in_dim3A_5 : vector<16xf32> to vector<1x16xf32>
      tpu.vector_store %arg13[%swap3A_53, %swap3A_54], %swap3A_57 {strides = array<i32>} : memref<128x64xf32, #tpu.memory_space<vmem>>, vector<1x16xf32>,
    }
    %scan3A_10 = arith.constant 128 : i32
    %add3A = arith.constant 0 : i32
    %add3A_11 = arith.addi %mul3A_2, %add3A : i32
    "tpu.region"() ({
      %run_scoped3A = tpu.sem_alloc : memref<!tpu.dma_semaphore, #tpu.memory_space<semaphore_mem>>
      %dma_start3A = arith.constant 0 : i32
      %dma_start3A_38 = tpu.memref_slice %arg12[%add3A_11, %dma_start3A] : memref<10240x64xf32, #tpu.memory_space<vmem_shared>> -> memref<128x64xf32, #tpu.memory_space<vmem_shared>>
      %dma_start3A_39 = arith.constant 0 : i32
      %dma_start3A_40 = tpu.memref_slice %arg12[%add3A_11, %dma_start3A_39] : memref<10240x64xf32, #tpu.memory_space<vmem_shared>> -> memref<128x64xf32, #tpu.memory_space<vmem_shared>>
      tpu.enqueue_dma source(%arg13 : memref<128x64xf32, #tpu.memory_space<vmem>>) target(%dma_start3A_40 : memref<128x64xf32, #tpu.memory_space<vmem_shared>>) target_semaphore(%run_scoped3A : memref<!tpu.dma_semaphore, #tpu.memory_space<semaphore_mem>>)
      %dma_wait3A = arith.constant 0 : i32
      %dma_wait3A_41 = tpu.memref_slice %arg12[%add3A_11, %dma_wait3A] : memref<10240x64xf32, #tpu.memory_space<vmem_shared>> -> memref<128x64xf32, #tpu.memory_space<vmem_shared>>
      %dma_wait3A_42 = arith.constant 0 : i32
      %dma_wait3A_43 = tpu.memref_slice %arg12[%add3A_11, %dma_wait3A_42] : memref<10240x64xf32, #tpu.memory_space<vmem_shared>> -> memref<128x64xf32, #tpu.memory_space<vmem_shared>>
      tpu.wait_dma2 semaphore(%run_scoped3A : memref<!tpu.dma_semaphore, #tpu.memory_space<semaphore_mem>>) src(%arg13 : memref<128x64xf32, #tpu.memory_space<vmem>>) dst(%dma_wait3A_43 : memref<128x64xf32, #tpu.memory_space<vmem_shared>>)
      tpu.yield
    }) : () -> ()
    %add3A_12 = arith.constant 128 : i32
    %add3A_13 = arith.addi %mul3A_2, %add3A_12 : i32
    "tpu.region"() ({
      %run_scoped3A = tpu.sem_alloc : memref<!tpu.dma_semaphore, #tpu.memory_space<semaphore_mem>>
      %dma_start3A = arith.constant 0 : i32
      %dma_start3A_38 = tpu.memref_slice %arg12[%add3A_13, %dma_start3A] : memref<10240x64xf32, #tpu.memory_space<vmem_shared>> -> memref<128x64xf32, #tpu.memory_space<vmem_shared>>
      %dma_start3A_39 = arith.constant 0 : i32
      %dma_start3A_40 = tpu.memref_slice %arg12[%add3A_13, %dma_start3A_39] : memref<10240x64xf32, #tpu.memory_space<vmem_shared>> -> memref<128x64xf32, #tpu.memory_space<vmem_shared>>
      tpu.enqueue_dma source(%arg13 : memref<128x64xf32, #tpu.memory_space<vmem>>) target(%dma_start3A_40 : memref<128x64xf32, #tpu.memory_space<vmem_shared>>) target_semaphore(%run_scoped3A : memref<!tpu.dma_semaphore, #tpu.memory_space<semaphore_mem>>)
      %dma_wait3A = arith.constant 0 : i32
      %dma_wait3A_41 = tpu.memref_slice %arg12[%add3A_13, %dma_wait3A] : memref<10240x64xf32, #tpu.memory_space<vmem_shared>> -> memref<128x64xf32, #tpu.memory_space<vmem_shared>>
      %dma_wait3A_42 = arith.constant 0 : i32
      %dma_wait3A_43 = tpu.memref_slice %arg12[%add3A_13, %dma_wait3A_42] : memref<10240x64xf32, #tpu.memory_space<vmem_shared>> -> memref<128x64xf32, #tpu.memory_space<vmem_shared>>
      tpu.wait_dma2 semaphore(%run_scoped3A : memref<!tpu.dma_semaphore, #tpu.memory_space<semaphore_mem>>) src(%arg13 : memref<128x64xf32, #tpu.memory_space<vmem>>) dst(%dma_wait3A_43 : memref<128x64xf32, #tpu.memory_space<vmem_shared>>)
      tpu.yield
    }) : () -> ()
    %add3A_14 = arith.constant 256 : i32
    %add3A_15 = arith.addi %mul3A_2, %add3A_14 : i32
    "tpu.region"() ({
      %run_scoped3A = tpu.sem_alloc : memref<!tpu.dma_semaphore, #tpu.memory_space<semaphore_mem>>
      %dma_start3A = arith.constant 0 : i32
      %dma_start3A_38 = tpu.memref_slice %arg12[%add3A_15, %dma_start3A] : memref<10240x64xf32, #tpu.memory_space<vmem_shared>> -> memref<128x64xf32, #tpu.memory_space<vmem_shared>>
      %dma_start3A_39 = arith.constant 0 : i32
      %dma_start3A_40 = tpu.memref_slice %arg12[%add3A_15, %dma_start3A_39] : memref<10240x64xf32, #tpu.memory_space<vmem_shared>> -> memref<128x64xf32, #tpu.memory_space<vmem_shared>>
      tpu.enqueue_dma source(%arg13 : memref<128x64xf32, #tpu.memory_space<vmem>>) target(%dma_start3A_40 : memref<128x64xf32, #tpu.memory_space<vmem_shared>>) target_semaphore(%run_scoped3A : memref<!tpu.dma_semaphore, #tpu.memory_space<semaphore_mem>>)
      %dma_wait3A = arith.constant 0 : i32
      %dma_wait3A_41 = tpu.memref_slice %arg12[%add3A_15, %dma_wait3A] : memref<10240x64xf32, #tpu.memory_space<vmem_shared>> -> memref<128x64xf32, #tpu.memory_space<vmem_shared>>
      %dma_wait3A_42 = arith.constant 0 : i32
      %dma_wait3A_43 = tpu.memref_slice %arg12[%add3A_15, %dma_wait3A_42] : memref<10240x64xf32, #tpu.memory_space<vmem_shared>> -> memref<128x64xf32, #tpu.memory_space<vmem_shared>>
      tpu.wait_dma2 semaphore(%run_scoped3A : memref<!tpu.dma_semaphore, #tpu.memory_space<semaphore_mem>>) src(%arg13 : memref<128x64xf32, #tpu.memory_space<vmem>>) dst(%dma_wait3A_43 : memref<128x64xf32, #tpu.memory_space<vmem_shared>>)
      tpu.yield
    }) : () -> ()
    %add3A_16 = arith.constant 384 : i32
    %add3A_17 = arith.addi %mul3A_2, %add3A_16 : i32
    "tpu.region"() ({
      %run_scoped3A = tpu.sem_alloc : memref<!tpu.dma_semaphore, #tpu.memory_space<semaphore_mem>>
      %dma_start3A = arith.constant 0 : i32
      %dma_start3A_38 = tpu.memref_slice %arg12[%add3A_17, %dma_start3A] : memref<10240x64xf32, #tpu.memory_space<vmem_shared>> -> memref<128x64xf32, #tpu.memory_space<vmem_shared>>
      %dma_start3A_39 = arith.constant 0 : i32
      %dma_start3A_40 = tpu.memref_slice %arg12[%add3A_17, %dma_start3A_39] : memref<10240x64xf32, #tpu.memory_space<vmem_shared>> -> memref<128x64xf32, #tpu.memory_space<vmem_shared>>
      tpu.enqueue_dma source(%arg13 : memref<128x64xf32, #tpu.memory_space<vmem>>) target(%dma_start3A_40 : memref<128x64xf32, #tpu.memory_space<vmem_shared>>) target_semaphore(%run_scoped3A : memref<!tpu.dma_semaphore, #tpu.memory_space<semaphore_mem>>)
      %dma_wait3A = arith.constant 0 : i32
      %dma_wait3A_41 = tpu.memref_slice %arg12[%add3A_17, %dma_wait3A] : memref<10240x64xf32, #tpu.memory_space<vmem_shared>> -> memref<128x64xf32, #tpu.memory_space<vmem_shared>>
      %dma_wait3A_42 = arith.constant 0 : i32
      %dma_wait3A_43 = tpu.memref_slice %arg12[%add3A_17, %dma_wait3A_42] : memref<10240x64xf32, #tpu.memory_space<vmem_shared>> -> memref<128x64xf32, #tpu.memory_space<vmem_shared>>
      tpu.wait_dma2 semaphore(%run_scoped3A : memref<!tpu.dma_semaphore, #tpu.memory_space<semaphore_mem>>) src(%arg13 : memref<128x64xf32, #tpu.memory_space<vmem>>) dst(%dma_wait3A_43 : memref<128x64xf32, #tpu.memory_space<vmem_shared>>)
      tpu.yield
    }) : () -> ()
    %add3A_18 = arith.constant 512 : i32
    %add3A_19 = arith.addi %mul3A_2, %add3A_18 : i32
    "tpu.region"() ({
      %run_scoped3A = tpu.sem_alloc : memref<!tpu.dma_semaphore, #tpu.memory_space<semaphore_mem>>
      %dma_start3A = arith.constant 0 : i32
      %dma_start3A_38 = tpu.memref_slice %arg12[%add3A_19, %dma_start3A] : memref<10240x64xf32, #tpu.memory_space<vmem_shared>> -> memref<128x64xf32, #tpu.memory_space<vmem_shared>>
      %dma_start3A_39 = arith.constant 0 : i32
      %dma_start3A_40 = tpu.memref_slice %arg12[%add3A_19, %dma_start3A_39] : memref<10240x64xf32, #tpu.memory_space<vmem_shared>> -> memref<128x64xf32, #tpu.memory_space<vmem_shared>>
      tpu.enqueue_dma source(%arg13 : memref<128x64xf32, #tpu.memory_space<vmem>>) target(%dma_start3A_40 : memref<128x64xf32, #tpu.memory_space<vmem_shared>>) target_semaphore(%run_scoped3A : memref<!tpu.dma_semaphore, #tpu.memory_space<semaphore_mem>>)
      %dma_wait3A = arith.constant 0 : i32
      %dma_wait3A_41 = tpu.memref_slice %arg12[%add3A_19, %dma_wait3A] : memref<10240x64xf32, #tpu.memory_space<vmem_shared>> -> memref<128x64xf32, #tpu.memory_space<vmem_shared>>
      %dma_wait3A_42 = arith.constant 0 : i32
      %dma_wait3A_43 = tpu.memref_slice %arg12[%add3A_19, %dma_wait3A_42] : memref<10240x64xf32, #tpu.memory_space<vmem_shared>> -> memref<128x64xf32, #tpu.memory_space<vmem_shared>>
      tpu.wait_dma2 semaphore(%run_scoped3A : memref<!tpu.dma_semaphore, #tpu.memory_space<semaphore_mem>>) src(%arg13 : memref<128x64xf32, #tpu.memory_space<vmem>>) dst(%dma_wait3A_43 : memref<128x64xf32, #tpu.memory_space<vmem_shared>>)
      tpu.yield
    }) : () -> ()
    %barrier3A = arith.constant 0 : index
    tpu.barrier barrier_id(%barrier3A)
    %scan3A_20 = arith.constant 0 : i32
    %scan3A_21 = arith.constant 0 : i32
    %scan3A_22 = arith.constant 157 : i32
    %scan3A_23 = arith.addi %scan3A_21, %scan3A_22 : i32
    %scan3A_24 = arith.constant 1 : i32
    scf.for %scan3A_38 = %scan3A_21 to %scan3A_23 step %scan3A_24  : i32 {
      %mul3A_39 = arith.constant 128 : i32
      %mul3A_40 = arith.muli %scan3A_38, %mul3A_39 : i32
      %add3A_41 = arith.addi %mul3A_4, %mul3A_40 : i32
      "tpu.region"() ({
        %run_scoped3A = tpu.sem_alloc : memref<!tpu.dma_semaphore, #tpu.memory_space<semaphore_mem>>
        %dma_start3A_122 = tpu.memref_slice %arg4[%add3A_41] : memref<321536xi32, #tpu.memory_space<hbm>> -> memref<128xi32, #tpu.memory_space<hbm>>
        %dma_start3A_123 = tpu.memref_slice %arg4[%add3A_41] : memref<321536xi32, #tpu.memory_space<hbm>> -> memref<128xi32, #tpu.memory_space<hbm>>
        tpu.enqueue_dma source(%dma_start3A_123 : memref<128xi32, #tpu.memory_space<hbm>>) target(%arg8 : memref<128xi32, #tpu.memory_space<vmem>>) target_semaphore(%run_scoped3A : memref<!tpu.dma_semaphore, #tpu.memory_space<semaphore_mem>>)
        %dma_wait3A_124 = tpu.memref_slice %arg4[%add3A_41] : memref<321536xi32, #tpu.memory_space<hbm>> -> memref<128xi32, #tpu.memory_space<hbm>>
        %dma_wait3A_125 = tpu.memref_slice %arg4[%add3A_41] : memref<321536xi32, #tpu.memory_space<hbm>> -> memref<128xi32, #tpu.memory_space<hbm>>
        tpu.wait_dma2 semaphore(%run_scoped3A : memref<!tpu.dma_semaphore, #tpu.memory_space<semaphore_mem>>) src(%dma_wait3A_125 : memref<128xi32, #tpu.memory_space<hbm>>) dst(%arg8 : memref<128xi32, #tpu.memory_space<vmem>>)
        tpu.yield
      }) : () -> ()
      "tpu.region"() ({
        %run_scoped3A = tpu.sem_alloc : memref<!tpu.dma_semaphore, #tpu.memory_space<semaphore_mem>>
        %dma_start3A_122 = tpu.memref_slice %arg3[%add3A_41] : memref<321536xi32, #tpu.memory_space<hbm>> -> memref<128xi32, #tpu.memory_space<hbm>>
        %dma_start3A_123 = tpu.memref_slice %arg3[%add3A_41] : memref<321536xi32, #tpu.memory_space<hbm>> -> memref<128xi32, #tpu.memory_space<hbm>>
        tpu.enqueue_dma source(%dma_start3A_123 : memref<128xi32, #tpu.memory_space<hbm>>) target(%arg9 : memref<128xi32, #tpu.memory_space<vmem>>) target_semaphore(%run_scoped3A : memref<!tpu.dma_semaphore, #tpu.memory_space<semaphore_mem>>)
        %dma_wait3A_124 = tpu.memref_slice %arg3[%add3A_41] : memref<321536xi32, #tpu.memory_space<hbm>> -> memref<128xi32, #tpu.memory_space<hbm>>
        %dma_wait3A_125 = tpu.memref_slice %arg3[%add3A_41] : memref<321536xi32, #tpu.memory_space<hbm>> -> memref<128xi32, #tpu.memory_space<hbm>>
        tpu.wait_dma2 semaphore(%run_scoped3A : memref<!tpu.dma_semaphore, #tpu.memory_space<semaphore_mem>>) src(%dma_wait3A_125 : memref<128xi32, #tpu.memory_space<hbm>>) dst(%arg9 : memref<128xi32, #tpu.memory_space<vmem>>)
        tpu.yield
      }) : () -> ()
      "tpu.region"() ({
        %run_scoped3A = tpu.sem_alloc : memref<!tpu.dma_semaphore, #tpu.memory_space<semaphore_mem>>
        %dma_start3A_122 = tpu.memref_slice %arg5[%add3A_41] : memref<321536xf32, #tpu.memory_space<hbm>> -> memref<128xf32, #tpu.memory_space<hbm>>
        %dma_start3A_123 = tpu.memref_slice %arg5[%add3A_41] : memref<321536xf32, #tpu.memory_space<hbm>> -> memref<128xf32, #tpu.memory_space<hbm>>
        tpu.enqueue_dma source(%dma_start3A_123 : memref<128xf32, #tpu.memory_space<hbm>>) target(%arg10 : memref<128xf32, #tpu.memory_space<vmem>>) target_semaphore(%run_scoped3A : memref<!tpu.dma_semaphore, #tpu.memory_space<semaphore_mem>>)
        %dma_wait3A_124 = tpu.memref_slice %arg5[%add3A_41] : memref<321536xf32, #tpu.memory_space<hbm>> -> memref<128xf32, #tpu.memory_space<hbm>>
        %dma_wait3A_125 = tpu.memref_slice %arg5[%add3A_41] : memref<321536xf32, #tpu.memory_space<hbm>> -> memref<128xf32, #tpu.memory_space<hbm>>
        tpu.wait_dma2 semaphore(%run_scoped3A : memref<!tpu.dma_semaphore, #tpu.memory_space<semaphore_mem>>) src(%dma_wait3A_125 : memref<128xf32, #tpu.memory_space<hbm>>) dst(%arg10 : memref<128xf32, #tpu.memory_space<vmem>>)
        tpu.yield
      }) : () -> ()
      %get3A = arith.constant 0 : index
      %get3A_42 = tpu.vector_load %arg8[%get3A] {strides = array<i32>} : memref<128xi32, #tpu.memory_space<vmem>>, vector<16xi32>,
      %get3A_43 = vector.shape_cast %get3A_42 : vector<16xi32> to vector<16xi32>
      %add3A_44 = vector.broadcast %mul3A_0 : i32 to vector<16xi32>
      %add3A_45 = arith.addi %get3A_43, %add3A_44 : vector<16xi32>
      %swap3A = arith.constant 0 : index
      %swap3A_46 = tpu.vector_load %arg8[%swap3A] {strides = array<i32>} : memref<128xi32, #tpu.memory_space<vmem>>, vector<16xi32>,
      %swap3A_47 = vector.shape_cast %swap3A_46 : vector<16xi32> to vector<16xi32>
      %swap3A_48 = vector.shape_cast %add3A_45 : vector<16xi32> to vector<16xi32>
      tpu.vector_store %arg8[%swap3A], %swap3A_48 {strides = array<i32>} : memref<128xi32, #tpu.memory_space<vmem>>, vector<16xi32>,
      %get3A_49 = arith.constant 16 : index
      %get3A_50 = tpu.vector_load %arg8[%get3A_49] {strides = array<i32>} : memref<128xi32, #tpu.memory_space<vmem>>, vector<16xi32>,
      %get3A_51 = vector.shape_cast %get3A_50 : vector<16xi32> to vector<16xi32>
      %add3A_52 = vector.broadcast %mul3A_0 : i32 to vector<16xi32>
      %add3A_53 = arith.addi %get3A_51, %add3A_52 : vector<16xi32>
      %swap3A_54 = arith.constant 16 : index
      %swap3A_55 = tpu.vector_load %arg8[%swap3A_54] {strides = array<i32>} : memref<128xi32, #tpu.memory_space<vmem>>, vector<16xi32>,
      %swap3A_56 = vector.shape_cast %swap3A_55 : vector<16xi32> to vector<16xi32>
      %swap3A_57 = vector.shape_cast %add3A_53 : vector<16xi32> to vector<16xi32>
      tpu.vector_store %arg8[%swap3A_54], %swap3A_57 {strides = array<i32>} : memref<128xi32, #tpu.memory_space<vmem>>, vector<16xi32>,
      %get3A_58 = arith.constant 32 : index
      %get3A_59 = tpu.vector_load %arg8[%get3A_58] {strides = array<i32>} : memref<128xi32, #tpu.memory_space<vmem>>, vector<16xi32>,
      %get3A_60 = vector.shape_cast %get3A_59 : vector<16xi32> to vector<16xi32>
      %add3A_61 = vector.broadcast %mul3A_0 : i32 to vector<16xi32>
      %add3A_62 = arith.addi %get3A_60, %add3A_61 : vector<16xi32>
      %swap3A_63 = arith.constant 32 : index
      %swap3A_64 = tpu.vector_load %arg8[%swap3A_63] {strides = array<i32>} : memref<128xi32, #tpu.memory_space<vmem>>, vector<16xi32>,
      %swap3A_65 = vector.shape_cast %swap3A_64 : vector<16xi32> to vector<16xi32>
      %swap3A_66 = vector.shape_cast %add3A_62 : vector<16xi32> to vector<16xi32>
      tpu.vector_store %arg8[%swap3A_63], %swap3A_66 {strides = array<i32>} : memref<128xi32, #tpu.memory_space<vmem>>, vector<16xi32>,
      %get3A_67 = arith.constant 48 : index
      %get3A_68 = tpu.vector_load %arg8[%get3A_67] {strides = array<i32>} : memref<128xi32, #tpu.memory_space<vmem>>, vector<16xi32>,
      %get3A_69 = vector.shape_cast %get3A_68 : vector<16xi32> to vector<16xi32>
      %add3A_70 = vector.broadcast %mul3A_0 : i32 to vector<16xi32>
      %add3A_71 = arith.addi %get3A_69, %add3A_70 : vector<16xi32>
      %swap3A_72 = arith.constant 48 : index
      %swap3A_73 = tpu.vector_load %arg8[%swap3A_72] {strides = array<i32>} : memref<128xi32, #tpu.memory_space<vmem>>, vector<16xi32>,
      %swap3A_74 = vector.shape_cast %swap3A_73 : vector<16xi32> to vector<16xi32>
      %swap3A_75 = vector.shape_cast %add3A_71 : vector<16xi32> to vector<16xi32>
      tpu.vector_store %arg8[%swap3A_72], %swap3A_75 {strides = array<i32>} : memref<128xi32, #tpu.memory_space<vmem>>, vector<16xi32>,
      %get3A_76 = arith.constant 64 : index
      %get3A_77 = tpu.vector_load %arg8[%get3A_76] {strides = array<i32>} : memref<128xi32, #tpu.memory_space<vmem>>, vector<16xi32>,
      %get3A_78 = vector.shape_cast %get3A_77 : vector<16xi32> to vector<16xi32>
      %add3A_79 = vector.broadcast %mul3A_0 : i32 to vector<16xi32>
      %add3A_80 = arith.addi %get3A_78, %add3A_79 : vector<16xi32>
      %swap3A_81 = arith.constant 64 : index
      %swap3A_82 = tpu.vector_load %arg8[%swap3A_81] {strides = array<i32>} : memref<128xi32, #tpu.memory_space<vmem>>, vector<16xi32>,
      %swap3A_83 = vector.shape_cast %swap3A_82 : vector<16xi32> to vector<16xi32>
      %swap3A_84 = vector.shape_cast %add3A_80 : vector<16xi32> to vector<16xi32>
      tpu.vector_store %arg8[%swap3A_81], %swap3A_84 {strides = array<i32>} : memref<128xi32, #tpu.memory_space<vmem>>, vector<16xi32>,
      %get3A_85 = arith.constant 80 : index
      %get3A_86 = tpu.vector_load %arg8[%get3A_85] {strides = array<i32>} : memref<128xi32, #tpu.memory_space<vmem>>, vector<16xi32>,
      %get3A_87 = vector.shape_cast %get3A_86 : vector<16xi32> to vector<16xi32>
      %add3A_88 = vector.broadcast %mul3A_0 : i32 to vector<16xi32>
      %add3A_89 = arith.addi %get3A_87, %add3A_88 : vector<16xi32>
      %swap3A_90 = arith.constant 80 : index
      %swap3A_91 = tpu.vector_load %arg8[%swap3A_90] {strides = array<i32>} : memref<128xi32, #tpu.memory_space<vmem>>, vector<16xi32>,
      %swap3A_92 = vector.shape_cast %swap3A_91 : vector<16xi32> to vector<16xi32>
      %swap3A_93 = vector.shape_cast %add3A_89 : vector<16xi32> to vector<16xi32>
      tpu.vector_store %arg8[%swap3A_90], %swap3A_93 {strides = array<i32>} : memref<128xi32, #tpu.memory_space<vmem>>, vector<16xi32>,
      %get3A_94 = arith.constant 96 : index
      %get3A_95 = tpu.vector_load %arg8[%get3A_94] {strides = array<i32>} : memref<128xi32, #tpu.memory_space<vmem>>, vector<16xi32>,
      %get3A_96 = vector.shape_cast %get3A_95 : vector<16xi32> to vector<16xi32>
      %add3A_97 = vector.broadcast %mul3A_0 : i32 to vector<16xi32>
      %add3A_98 = arith.addi %get3A_96, %add3A_97 : vector<16xi32>
      %swap3A_99 = arith.constant 96 : index
      %swap3A_100 = tpu.vector_load %arg8[%swap3A_99] {strides = array<i32>} : memref<128xi32, #tpu.memory_space<vmem>>, vector<16xi32>,
      %swap3A_101 = vector.shape_cast %swap3A_100 : vector<16xi32> to vector<16xi32>
      %swap3A_102 = vector.shape_cast %add3A_98 : vector<16xi32> to vector<16xi32>
      tpu.vector_store %arg8[%swap3A_99], %swap3A_102 {strides = array<i32>} : memref<128xi32, #tpu.memory_space<vmem>>, vector<16xi32>,
      %get3A_103 = arith.constant 112 : index
      %get3A_104 = tpu.vector_load %arg8[%get3A_103] {strides = array<i32>} : memref<128xi32, #tpu.memory_space<vmem>>, vector<16xi32>,
      %get3A_105 = vector.shape_cast %get3A_104 : vector<16xi32> to vector<16xi32>
      %add3A_106 = vector.broadcast %mul3A_0 : i32 to vector<16xi32>
      %add3A_107 = arith.addi %get3A_105, %add3A_106 : vector<16xi32>
      %swap3A_108 = arith.constant 112 : index
      %swap3A_109 = tpu.vector_load %arg8[%swap3A_108] {strides = array<i32>} : memref<128xi32, #tpu.memory_space<vmem>>, vector<16xi32>,
      %swap3A_110 = vector.shape_cast %swap3A_109 : vector<16xi32> to vector<16xi32>
      %swap3A_111 = vector.shape_cast %add3A_107 : vector<16xi32> to vector<16xi32>
      tpu.vector_store %arg8[%swap3A_108], %swap3A_111 {strides = array<i32>} : memref<128xi32, #tpu.memory_space<vmem>>, vector<16xi32>,
      %dma_start3A = arith.constant 0 : i32
      %dma_start3A_112 = arith.constant 0 : i32
      %dma_start3A_113 = tpu.memref_slice %arg2[%dma_start3A, %dma_start3A_112] : memref<20000x64xf32, #tpu.memory_space<hbm>> -> memref<20000x64xf32, #tpu.memory_space<hbm>>
      tpu.enqueue_indirect_dma source(%dma_start3A_113 : memref<20000x64xf32, #tpu.memory_space<hbm>>) target(%arg11 : memref<128x64xf32, #tpu.memory_space<vmem>>) offsets(%arg8 : memref<128xi32, #tpu.memory_space<vmem>>) semaphore(%arg16 : memref<!tpu.dma_semaphore, #tpu.memory_space<semaphore_mem>>)
      %dma_wait3A = arith.constant 0 : i32
      %dma_wait3A_114 = arith.constant 0 : i32
      %dma_wait3A_115 = tpu.memref_slice %arg2[%dma_wait3A, %dma_wait3A_114] : memref<20000x64xf32, #tpu.memory_space<hbm>> -> memref<20000x64xf32, #tpu.memory_space<hbm>>
      tpu.wait_indirect_dma semaphore(%arg16 : memref<!tpu.dma_semaphore, #tpu.memory_space<semaphore_mem>>) src(%dma_wait3A_115 : memref<20000x64xf32, #tpu.memory_space<hbm>>) dst(%arg11 : memref<128x64xf32, #tpu.memory_space<vmem>>)
      %scan3A_116 = arith.constant 0 : i32
      %scan3A_117 = arith.constant 0 : i32
      %scan3A_118 = arith.constant 8 : i32
      %scan3A_119 = arith.addi %scan3A_117, %scan3A_118 : i32
      %scan3A_120 = arith.constant 1 : i32
      scf.for %scan3A_122 = %scan3A_117 to %scan3A_119 step %scan3A_120  : i32 {
        %mul3A_123 = arith.constant 16 : i32
        %mul3A_124 = arith.muli %scan3A_122, %mul3A_123 : i32
        %get3A_125 = arith.index_cast %mul3A_124 : i32 to index
        %get3A_126 = tpu.vector_load %arg10[%get3A_125] {strides = array<i32>} : memref<128xf32, #tpu.memory_space<vmem>>, vector<16xf32>,
        %get3A_127 = vector.shape_cast %get3A_126 : vector<16xf32> to vector<16xf32>
        %broadcast_in_dim3A_128 = arith.constant 0 : i32
        %broadcast_in_dim3A_129 = vector.broadcast %broadcast_in_dim3A_128 : i32 to vector<16x1xi32>
        %gather3A = vector.shape_cast %broadcast_in_dim3A_129 : vector<16x1xi32> to vector<16xi32>
        %gather3A_130 = tpu.dynamic_gather %get3A_127[%gather3A] in [0] : vector<16xf32>, vector<16xi32> -> vector<16xf32>
        %mul3A_131 = arith.constant 16 : i32
        %mul3A_132 = arith.muli %scan3A_122, %mul3A_131 : i32
        %add3A_133 = arith.constant 0 : i32
        %add3A_134 = arith.addi %mul3A_132, %add3A_133 : i32
        %get3A_135 = arith.index_cast %add3A_134 : i32 to index
        %get3A_136 = arith.constant 0 : index
        %get3A_137 = tpu.vector_load %arg11[%get3A_135, %get3A_136] {strides = array<i32>} : memref<128x64xf32, #tpu.memory_space<vmem>>, vector<1x16xf32>,
        %get3A_138 = vector.shape_cast %get3A_137 : vector<1x16xf32> to vector<16xf32>
        %mul3A_139 = arith.mulf %get3A_138, %gather3A_130 : vector<16xf32>
        %swap3A_140 = arith.index_cast %add3A_134 : i32 to index
        %swap3A_141 = arith.constant 0 : index
        %swap3A_142 = tpu.vector_load %arg11[%swap3A_140, %swap3A_141] {strides = array<i32>} : memref<128x64xf32, #tpu.memory_space<vmem>>, vector<1x16xf32>,
        %swap3A_143 = vector.shape_cast %swap3A_142 : vector<1x16xf32> to vector<16xf32>
        %swap3A_144 = vector.shape_cast %mul3A_139 : vector<16xf32> to vector<1x16xf32>
        tpu.vector_store %arg11[%swap3A_140, %swap3A_141], %swap3A_144 {strides = array<i32>} : memref<128x64xf32, #tpu.memory_space<vmem>>, vector<1x16xf32>,
        %get3A_145 = arith.index_cast %add3A_134 : i32 to index
        %get3A_146 = arith.constant 16 : index
        %get3A_147 = tpu.vector_load %arg11[%get3A_145, %get3A_146] {strides = array<i32>} : memref<128x64xf32, #tpu.memory_space<vmem>>, vector<1x16xf32>,
        %get3A_148 = vector.shape_cast %get3A_147 : vector<1x16xf32> to vector<16xf32>
        %mul3A_149 = arith.mulf %get3A_148, %gather3A_130 : vector<16xf32>
        %swap3A_150 = arith.index_cast %add3A_134 : i32 to index
        %swap3A_151 = arith.constant 16 : index
        %swap3A_152 = tpu.vector_load %arg11[%swap3A_150, %swap3A_151] {strides = array<i32>} : memref<128x64xf32, #tpu.memory_space<vmem>>, vector<1x16xf32>,
        %swap3A_153 = vector.shape_cast %swap3A_152 : vector<1x16xf32> to vector<16xf32>
        %swap3A_154 = vector.shape_cast %mul3A_149 : vector<16xf32> to vector<1x16xf32>
        tpu.vector_store %arg11[%swap3A_150, %swap3A_151], %swap3A_154 {strides = array<i32>} : memref<128x64xf32, #tpu.memory_space<vmem>>, vector<1x16xf32>,
        %get3A_155 = arith.index_cast %add3A_134 : i32 to index
        %get3A_156 = arith.constant 32 : index
        %get3A_157 = tpu.vector_load %arg11[%get3A_155, %get3A_156] {strides = array<i32>} : memref<128x64xf32, #tpu.memory_space<vmem>>, vector<1x16xf32>,
        %get3A_158 = vector.shape_cast %get3A_157 : vector<1x16xf32> to vector<16xf32>
        %mul3A_159 = arith.mulf %get3A_158, %gather3A_130 : vector<16xf32>
        %swap3A_160 = arith.index_cast %add3A_134 : i32 to index
        %swap3A_161 = arith.constant 32 : index
        %swap3A_162 = tpu.vector_load %arg11[%swap3A_160, %swap3A_161] {strides = array<i32>} : memref<128x64xf32, #tpu.memory_space<vmem>>, vector<1x16xf32>,
        %swap3A_163 = vector.shape_cast %swap3A_162 : vector<1x16xf32> to vector<16xf32>
        %swap3A_164 = vector.shape_cast %mul3A_159 : vector<16xf32> to vector<1x16xf32>
        tpu.vector_store %arg11[%swap3A_160, %swap3A_161], %swap3A_164 {strides = array<i32>} : memref<128x64xf32, #tpu.memory_space<vmem>>, vector<1x16xf32>,
        %get3A_165 = arith.index_cast %add3A_134 : i32 to index
        %get3A_166 = arith.constant 48 : index
        %get3A_167 = tpu.vector_load %arg11[%get3A_165, %get3A_166] {strides = array<i32>} : memref<128x64xf32, #tpu.memory_space<vmem>>, vector<1x16xf32>,
        %get3A_168 = vector.shape_cast %get3A_167 : vector<1x16xf32> to vector<16xf32>
        %mul3A_169 = arith.mulf %get3A_168, %gather3A_130 : vector<16xf32>
        %swap3A_170 = arith.index_cast %add3A_134 : i32 to index
        %swap3A_171 = arith.constant 48 : index
        %swap3A_172 = tpu.vector_load %arg11[%swap3A_170, %swap3A_171] {strides = array<i32>} : memref<128x64xf32, #tpu.memory_space<vmem>>, vector<1x16xf32>,
        %swap3A_173 = vector.shape_cast %swap3A_172 : vector<1x16xf32> to vector<16xf32>
        %swap3A_174 = vector.shape_cast %mul3A_169 : vector<16xf32> to vector<1x16xf32>
        tpu.vector_store %arg11[%swap3A_170, %swap3A_171], %swap3A_174 {strides = array<i32>} : memref<128x64xf32, #tpu.memory_space<vmem>>, vector<1x16xf32>,
        %broadcast_in_dim3A_175 = arith.constant 1 : i32
        %broadcast_in_dim3A_176 = vector.broadcast %broadcast_in_dim3A_175 : i32 to vector<16x1xi32>
        %gather3A_177 = vector.shape_cast %broadcast_in_dim3A_176 : vector<16x1xi32> to vector<16xi32>
        %gather3A_178 = tpu.dynamic_gather %get3A_127[%gather3A_177] in [0] : vector<16xf32>, vector<16xi32> -> vector<16xf32>
        %mul3A_179 = arith.constant 16 : i32
        %mul3A_180 = arith.muli %scan3A_122, %mul3A_179 : i32
        %add3A_181 = arith.constant 1 : i32
        %add3A_182 = arith.addi %mul3A_180, %add3A_181 : i32
        %get3A_183 = arith.index_cast %add3A_182 : i32 to index
        %get3A_184 = arith.constant 0 : index
        %get3A_185 = tpu.vector_load %arg11[%get3A_183, %get3A_184] {strides = array<i32>} : memref<128x64xf32, #tpu.memory_space<vmem>>, vector<1x16xf32>,
        %get3A_186 = vector.shape_cast %get3A_185 : vector<1x16xf32> to vector<16xf32>
        %mul3A_187 = arith.mulf %get3A_186, %gather3A_178 : vector<16xf32>
        %swap3A_188 = arith.index_cast %add3A_182 : i32 to index
        %swap3A_189 = arith.constant 0 : index
        %swap3A_190 = tpu.vector_load %arg11[%swap3A_188, %swap3A_189] {strides = array<i32>} : memref<128x64xf32, #tpu.memory_space<vmem>>, vector<1x16xf32>,
        %swap3A_191 = vector.shape_cast %swap3A_190 : vector<1x16xf32> to vector<16xf32>
        %swap3A_192 = vector.shape_cast %mul3A_187 : vector<16xf32> to vector<1x16xf32>
        tpu.vector_store %arg11[%swap3A_188, %swap3A_189], %swap3A_192 {strides = array<i32>} : memref<128x64xf32, #tpu.memory_space<vmem>>, vector<1x16xf32>,
        %get3A_193 = arith.index_cast %add3A_182 : i32 to index
        %get3A_194 = arith.constant 16 : index
        %get3A_195 = tpu.vector_load %arg11[%get3A_193, %get3A_194] {strides = array<i32>} : memref<128x64xf32, #tpu.memory_space<vmem>>, vector<1x16xf32>,
        %get3A_196 = vector.shape_cast %get3A_195 : vector<1x16xf32> to vector<16xf32>
        %mul3A_197 = arith.mulf %get3A_196, %gather3A_178 : vector<16xf32>
        %swap3A_198 = arith.index_cast %add3A_182 : i32 to index
        %swap3A_199 = arith.constant 16 : index
        %swap3A_200 = tpu.vector_load %arg11[%swap3A_198, %swap3A_199] {strides = array<i32>} : memref<128x64xf32, #tpu.memory_space<vmem>>, vector<1x16xf32>,
        %swap3A_201 = vector.shape_cast %swap3A_200 : vector<1x16xf32> to vector<16xf32>
        %swap3A_202 = vector.shape_cast %mul3A_197 : vector<16xf32> to vector<1x16xf32>
        tpu.vector_store %arg11[%swap3A_198, %swap3A_199], %swap3A_202 {strides = array<i32>} : memref<128x64xf32, #tpu.memory_space<vmem>>, vector<1x16xf32>,
        %get3A_203 = arith.index_cast %add3A_182 : i32 to index
        %get3A_204 = arith.constant 32 : index
        %get3A_205 = tpu.vector_load %arg11[%get3A_203, %get3A_204] {strides = array<i32>} : memref<128x64xf32, #tpu.memory_space<vmem>>, vector<1x16xf32>,
        %get3A_206 = vector.shape_cast %get3A_205 : vector<1x16xf32> to vector<16xf32>
        %mul3A_207 = arith.mulf %get3A_206, %gather3A_178 : vector<16xf32>
        %swap3A_208 = arith.index_cast %add3A_182 : i32 to index
        %swap3A_209 = arith.constant 32 : index
        %swap3A_210 = tpu.vector_load %arg11[%swap3A_208, %swap3A_209] {strides = array<i32>} : memref<128x64xf32, #tpu.memory_space<vmem>>, vector<1x16xf32>,
        %swap3A_211 = vector.shape_cast %swap3A_210 : vector<1x16xf32> to vector<16xf32>
        %swap3A_212 = vector.shape_cast %mul3A_207 : vector<16xf32> to vector<1x16xf32>
        tpu.vector_store %arg11[%swap3A_208, %swap3A_209], %swap3A_212 {strides = array<i32>} : memref<128x64xf32, #tpu.memory_space<vmem>>, vector<1x16xf32>,
        %get3A_213 = arith.index_cast %add3A_182 : i32 to index
        %get3A_214 = arith.constant 48 : index
        %get3A_215 = tpu.vector_load %arg11[%get3A_213, %get3A_214] {strides = array<i32>} : memref<128x64xf32, #tpu.memory_space<vmem>>, vector<1x16xf32>,
        %get3A_216 = vector.shape_cast %get3A_215 : vector<1x16xf32> to vector<16xf32>
        %mul3A_217 = arith.mulf %get3A_216, %gather3A_178 : vector<16xf32>
        %swap3A_218 = arith.index_cast %add3A_182 : i32 to index
        %swap3A_219 = arith.constant 48 : index
        %swap3A_220 = tpu.vector_load %arg11[%swap3A_218, %swap3A_219] {strides = array<i32>} : memref<128x64xf32, #tpu.memory_space<vmem>>, vector<1x16xf32>,
        %swap3A_221 = vector.shape_cast %swap3A_220 : vector<1x16xf32> to vector<16xf32>
        %swap3A_222 = vector.shape_cast %mul3A_217 : vector<16xf32> to vector<1x16xf32>
        tpu.vector_store %arg11[%swap3A_218, %swap3A_219], %swap3A_222 {strides = array<i32>} : memref<128x64xf32, #tpu.memory_space<vmem>>, vector<1x16xf32>,
        %broadcast_in_dim3A_223 = arith.constant 2 : i32
        %broadcast_in_dim3A_224 = vector.broadcast %broadcast_in_dim3A_223 : i32 to vector<16x1xi32>
        %gather3A_225 = vector.shape_cast %broadcast_in_dim3A_224 : vector<16x1xi32> to vector<16xi32>
        %gather3A_226 = tpu.dynamic_gather %get3A_127[%gather3A_225] in [0] : vector<16xf32>, vector<16xi32> -> vector<16xf32>
        %mul3A_227 = arith.constant 16 : i32
        %mul3A_228 = arith.muli %scan3A_122, %mul3A_227 : i32
        %add3A_229 = arith.constant 2 : i32
        %add3A_230 = arith.addi %mul3A_228, %add3A_229 : i32
        %get3A_231 = arith.index_cast %add3A_230 : i32 to index
        %get3A_232 = arith.constant 0 : index
        %get3A_233 = tpu.vector_load %arg11[%get3A_231, %get3A_232] {strides = array<i32>} : memref<128x64xf32, #tpu.memory_space<vmem>>, vector<1x16xf32>,
        %get3A_234 = vector.shape_cast %get3A_233 : vector<1x16xf32> to vector<16xf32>
        %mul3A_235 = arith.mulf %get3A_234, %gather3A_226 : vector<16xf32>
        %swap3A_236 = arith.index_cast %add3A_230 : i32 to index
        %swap3A_237 = arith.constant 0 : index
        %swap3A_238 = tpu.vector_load %arg11[%swap3A_236, %swap3A_237] {strides = array<i32>} : memref<128x64xf32, #tpu.memory_space<vmem>>, vector<1x16xf32>,
        %swap3A_239 = vector.shape_cast %swap3A_238 : vector<1x16xf32> to vector<16xf32>
        %swap3A_240 = vector.shape_cast %mul3A_235 : vector<16xf32> to vector<1x16xf32>
        tpu.vector_store %arg11[%swap3A_236, %swap3A_237], %swap3A_240 {strides = array<i32>} : memref<128x64xf32, #tpu.memory_space<vmem>>, vector<1x16xf32>,
        %get3A_241 = arith.index_cast %add3A_230 : i32 to index
        %get3A_242 = arith.constant 16 : index
        %get3A_243 = tpu.vector_load %arg11[%get3A_241, %get3A_242] {strides = array<i32>} : memref<128x64xf32, #tpu.memory_space<vmem>>, vector<1x16xf32>,
        %get3A_244 = vector.shape_cast %get3A_243 : vector<1x16xf32> to vector<16xf32>
        %mul3A_245 = arith.mulf %get3A_244, %gather3A_226 : vector<16xf32>
        %swap3A_246 = arith.index_cast %add3A_230 : i32 to index
        %swap3A_247 = arith.constant 16 : index
        %swap3A_248 = tpu.vector_load %arg11[%swap3A_246, %swap3A_247] {strides = array<i32>} : memref<128x64xf32, #tpu.memory_space<vmem>>, vector<1x16xf32>,
        %swap3A_249 = vector.shape_cast %swap3A_248 : vector<1x16xf32> to vector<16xf32>
        %swap3A_250 = vector.shape_cast %mul3A_245 : vector<16xf32> to vector<1x16xf32>
        tpu.vector_store %arg11[%swap3A_246, %swap3A_247], %swap3A_250 {strides = array<i32>} : memref<128x64xf32, #tpu.memory_space<vmem>>, vector<1x16xf32>,
        %get3A_251 = arith.index_cast %add3A_230 : i32 to index
        %get3A_252 = arith.constant 32 : index
        %get3A_253 = tpu.vector_load %arg11[%get3A_251, %get3A_252] {strides = array<i32>} : memref<128x64xf32, #tpu.memory_space<vmem>>, vector<1x16xf32>,
        %get3A_254 = vector.shape_cast %get3A_253 : vector<1x16xf32> to vector<16xf32>
        %mul3A_255 = arith.mulf %get3A_254, %gather3A_226 : vector<16xf32>
        %swap3A_256 = arith.index_cast %add3A_230 : i32 to index
        %swap3A_257 = arith.constant 32 : index
        %swap3A_258 = tpu.vector_load %arg11[%swap3A_256, %swap3A_257] {strides = array<i32>} : memref<128x64xf32, #tpu.memory_space<vmem>>, vector<1x16xf32>,
        %swap3A_259 = vector.shape_cast %swap3A_258 : vector<1x16xf32> to vector<16xf32>
        %swap3A_260 = vector.shape_cast %mul3A_255 : vector<16xf32> to vector<1x16xf32>
        tpu.vector_store %arg11[%swap3A_256, %swap3A_257], %swap3A_260 {strides = array<i32>} : memref<128x64xf32, #tpu.memory_space<vmem>>, vector<1x16xf32>,
        %get3A_261 = arith.index_cast %add3A_230 : i32 to index
        %get3A_262 = arith.constant 48 : index
        %get3A_263 = tpu.vector_load %arg11[%get3A_261, %get3A_262] {strides = array<i32>} : memref<128x64xf32, #tpu.memory_space<vmem>>, vector<1x16xf32>,
        %get3A_264 = vector.shape_cast %get3A_263 : vector<1x16xf32> to vector<16xf32>
        %mul3A_265 = arith.mulf %get3A_264, %gather3A_226 : vector<16xf32>
        %swap3A_266 = arith.index_cast %add3A_230 : i32 to index
        %swap3A_267 = arith.constant 48 : index
        %swap3A_268 = tpu.vector_load %arg11[%swap3A_266, %swap3A_267] {strides = array<i32>} : memref<128x64xf32, #tpu.memory_space<vmem>>, vector<1x16xf32>,
        %swap3A_269 = vector.shape_cast %swap3A_268 : vector<1x16xf32> to vector<16xf32>
        %swap3A_270 = vector.shape_cast %mul3A_265 : vector<16xf32> to vector<1x16xf32>
        tpu.vector_store %arg11[%swap3A_266, %swap3A_267], %swap3A_270 {strides = array<i32>} : memref<128x64xf32, #tpu.memory_space<vmem>>, vector<1x16xf32>,
        %broadcast_in_dim3A_271 = arith.constant 3 : i32
        %broadcast_in_dim3A_272 = vector.broadcast %broadcast_in_dim3A_271 : i32 to vector<16x1xi32>
        %gather3A_273 = vector.shape_cast %broadcast_in_dim3A_272 : vector<16x1xi32> to vector<16xi32>
        %gather3A_274 = tpu.dynamic_gather %get3A_127[%gather3A_273] in [0] : vector<16xf32>, vector<16xi32> -> vector<16xf32>
        %mul3A_275 = arith.constant 16 : i32
        %mul3A_276 = arith.muli %scan3A_122, %mul3A_275 : i32
        %add3A_277 = arith.constant 3 : i32
        %add3A_278 = arith.addi %mul3A_276, %add3A_277 : i32
        %get3A_279 = arith.index_cast %add3A_278 : i32 to index
        %get3A_280 = arith.constant 0 : index
        %get3A_281 = tpu.vector_load %arg11[%get3A_279, %get3A_280] {strides = array<i32>} : memref<128x64xf32, #tpu.memory_space<vmem>>, vector<1x16xf32>,
        %get3A_282 = vector.shape_cast %get3A_281 : vector<1x16xf32> to vector<16xf32>
        %mul3A_283 = arith.mulf %get3A_282, %gather3A_274 : vector<16xf32>
        %swap3A_284 = arith.index_cast %add3A_278 : i32 to index
        %swap3A_285 = arith.constant 0 : index
        %swap3A_286 = tpu.vector_load %arg11[%swap3A_284, %swap3A_285] {strides = array<i32>} : memref<128x64xf32, #tpu.memory_space<vmem>>, vector<1x16xf32>,
        %swap3A_287 = vector.shape_cast %swap3A_286 : vector<1x16xf32> to vector<16xf32>
        %swap3A_288 = vector.shape_cast %mul3A_283 : vector<16xf32> to vector<1x16xf32>
        tpu.vector_store %arg11[%swap3A_284, %swap3A_285], %swap3A_288 {strides = array<i32>} : memref<128x64xf32, #tpu.memory_space<vmem>>, vector<1x16xf32>,
        %get3A_289 = arith.index_cast %add3A_278 : i32 to index
        %get3A_290 = arith.constant 16 : index
        %get3A_291 = tpu.vector_load %arg11[%get3A_289, %get3A_290] {strides = array<i32>} : memref<128x64xf32, #tpu.memory_space<vmem>>, vector<1x16xf32>,
        %get3A_292 = vector.shape_cast %get3A_291 : vector<1x16xf32> to vector<16xf32>
        %mul3A_293 = arith.mulf %get3A_292, %gather3A_274 : vector<16xf32>
        %swap3A_294 = arith.index_cast %add3A_278 : i32 to index
        %swap3A_295 = arith.constant 16 : index
        %swap3A_296 = tpu.vector_load %arg11[%swap3A_294, %swap3A_295] {strides = array<i32>} : memref<128x64xf32, #tpu.memory_space<vmem>>, vector<1x16xf32>,
        %swap3A_297 = vector.shape_cast %swap3A_296 : vector<1x16xf32> to vector<16xf32>
        %swap3A_298 = vector.shape_cast %mul3A_293 : vector<16xf32> to vector<1x16xf32>
        tpu.vector_store %arg11[%swap3A_294, %swap3A_295], %swap3A_298 {strides = array<i32>} : memref<128x64xf32, #tpu.memory_space<vmem>>, vector<1x16xf32>,
        %get3A_299 = arith.index_cast %add3A_278 : i32 to index
        %get3A_300 = arith.constant 32 : index
        %get3A_301 = tpu.vector_load %arg11[%get3A_299, %get3A_300] {strides = array<i32>} : memref<128x64xf32, #tpu.memory_space<vmem>>, vector<1x16xf32>,
        %get3A_302 = vector.shape_cast %get3A_301 : vector<1x16xf32> to vector<16xf32>
        %mul3A_303 = arith.mulf %get3A_302, %gather3A_274 : vector<16xf32>
        %swap3A_304 = arith.index_cast %add3A_278 : i32 to index
        %swap3A_305 = arith.constant 32 : index
        %swap3A_306 = tpu.vector_load %arg11[%swap3A_304, %swap3A_305] {strides = array<i32>} : memref<128x64xf32, #tpu.memory_space<vmem>>, vector<1x16xf32>,
        %swap3A_307 = vector.shape_cast %swap3A_306 : vector<1x16xf32> to vector<16xf32>
        %swap3A_308 = vector.shape_cast %mul3A_303 : vector<16xf32> to vector<1x16xf32>
        tpu.vector_store %arg11[%swap3A_304, %swap3A_305], %swap3A_308 {strides = array<i32>} : memref<128x64xf32, #tpu.memory_space<vmem>>, vector<1x16xf32>,
        %get3A_309 = arith.index_cast %add3A_278 : i32 to index
        %get3A_310 = arith.constant 48 : index
        %get3A_311 = tpu.vector_load %arg11[%get3A_309, %get3A_310] {strides = array<i32>} : memref<128x64xf32, #tpu.memory_space<vmem>>, vector<1x16xf32>,
        %get3A_312 = vector.shape_cast %get3A_311 : vector<1x16xf32> to vector<16xf32>
        %mul3A_313 = arith.mulf %get3A_312, %gather3A_274 : vector<16xf32>
        %swap3A_314 = arith.index_cast %add3A_278 : i32 to index
        %swap3A_315 = arith.constant 48 : index
        %swap3A_316 = tpu.vector_load %arg11[%swap3A_314, %swap3A_315] {strides = array<i32>} : memref<128x64xf32, #tpu.memory_space<vmem>>, vector<1x16xf32>,
        %swap3A_317 = vector.shape_cast %swap3A_316 : vector<1x16xf32> to vector<16xf32>
        %swap3A_318 = vector.shape_cast %mul3A_313 : vector<16xf32> to vector<1x16xf32>
        tpu.vector_store %arg11[%swap3A_314, %swap3A_315], %swap3A_318 {strides = array<i32>} : memref<128x64xf32, #tpu.memory_space<vmem>>, vector<1x16xf32>,
        %broadcast_in_dim3A_319 = arith.constant 4 : i32
        %broadcast_in_dim3A_320 = vector.broadcast %broadcast_in_dim3A_319 : i32 to vector<16x1xi32>
        %gather3A_321 = vector.shape_cast %broadcast_in_dim3A_320 : vector<16x1xi32> to vector<16xi32>
        %gather3A_322 = tpu.dynamic_gather %get3A_127[%gather3A_321] in [0] : vector<16xf32>, vector<16xi32> -> vector<16xf32>
        %mul3A_323 = arith.constant 16 : i32
        %mul3A_324 = arith.muli %scan3A_122, %mul3A_323 : i32
        %add3A_325 = arith.constant 4 : i32
        %add3A_326 = arith.addi %mul3A_324, %add3A_325 : i32
        %get3A_327 = arith.index_cast %add3A_326 : i32 to index
        %get3A_328 = arith.constant 0 : index
        %get3A_329 = tpu.vector_load %arg11[%get3A_327, %get3A_328] {strides = array<i32>} : memref<128x64xf32, #tpu.memory_space<vmem>>, vector<1x16xf32>,
        %get3A_330 = vector.shape_cast %get3A_329 : vector<1x16xf32> to vector<16xf32>
        %mul3A_331 = arith.mulf %get3A_330, %gather3A_322 : vector<16xf32>
        %swap3A_332 = arith.index_cast %add3A_326 : i32 to index
        %swap3A_333 = arith.constant 0 : index
        %swap3A_334 = tpu.vector_load %arg11[%swap3A_332, %swap3A_333] {strides = array<i32>} : memref<128x64xf32, #tpu.memory_space<vmem>>, vector<1x16xf32>,
        %swap3A_335 = vector.shape_cast %swap3A_334 : vector<1x16xf32> to vector<16xf32>
        %swap3A_336 = vector.shape_cast %mul3A_331 : vector<16xf32> to vector<1x16xf32>
        tpu.vector_store %arg11[%swap3A_332, %swap3A_333], %swap3A_336 {strides = array<i32>} : memref<128x64xf32, #tpu.memory_space<vmem>>, vector<1x16xf32>,
        %get3A_337 = arith.index_cast %add3A_326 : i32 to index
        %get3A_338 = arith.constant 16 : index
        %get3A_339 = tpu.vector_load %arg11[%get3A_337, %get3A_338] {strides = array<i32>} : memref<128x64xf32, #tpu.memory_space<vmem>>, vector<1x16xf32>,
        %get3A_340 = vector.shape_cast %get3A_339 : vector<1x16xf32> to vector<16xf32>
        %mul3A_341 = arith.mulf %get3A_340, %gather3A_322 : vector<16xf32>
        %swap3A_342 = arith.index_cast %add3A_326 : i32 to index
        %swap3A_343 = arith.constant 16 : index
        %swap3A_344 = tpu.vector_load %arg11[%swap3A_342, %swap3A_343] {strides = array<i32>} : memref<128x64xf32, #tpu.memory_space<vmem>>, vector<1x16xf32>,
        %swap3A_345 = vector.shape_cast %swap3A_344 : vector<1x16xf32> to vector<16xf32>
        %swap3A_346 = vector.shape_cast %mul3A_341 : vector<16xf32> to vector<1x16xf32>
        tpu.vector_store %arg11[%swap3A_342, %swap3A_343], %swap3A_346 {strides = array<i32>} : memref<128x64xf32, #tpu.memory_space<vmem>>, vector<1x16xf32>,
        %get3A_347 = arith.index_cast %add3A_326 : i32 to index
        %get3A_348 = arith.constant 32 : index
        %get3A_349 = tpu.vector_load %arg11[%get3A_347, %get3A_348] {strides = array<i32>} : memref<128x64xf32, #tpu.memory_space<vmem>>, vector<1x16xf32>,
        %get3A_350 = vector.shape_cast %get3A_349 : vector<1x16xf32> to vector<16xf32>
        %mul3A_351 = arith.mulf %get3A_350, %gather3A_322 : vector<16xf32>
        %swap3A_352 = arith.index_cast %add3A_326 : i32 to index
        %swap3A_353 = arith.constant 32 : index
        %swap3A_354 = tpu.vector_load %arg11[%swap3A_352, %swap3A_353] {strides = array<i32>} : memref<128x64xf32, #tpu.memory_space<vmem>>, vector<1x16xf32>,
        %swap3A_355 = vector.shape_cast %swap3A_354 : vector<1x16xf32> to vector<16xf32>
        %swap3A_356 = vector.shape_cast %mul3A_351 : vector<16xf32> to vector<1x16xf32>
        tpu.vector_store %arg11[%swap3A_352, %swap3A_353], %swap3A_356 {strides = array<i32>} : memref<128x64xf32, #tpu.memory_space<vmem>>, vector<1x16xf32>,
        %get3A_357 = arith.index_cast %add3A_326 : i32 to index
        %get3A_358 = arith.constant 48 : index
        %get3A_359 = tpu.vector_load %arg11[%get3A_357, %get3A_358] {strides = array<i32>} : memref<128x64xf32, #tpu.memory_space<vmem>>, vector<1x16xf32>,
        %get3A_360 = vector.shape_cast %get3A_359 : vector<1x16xf32> to vector<16xf32>
        %mul3A_361 = arith.mulf %get3A_360, %gather3A_322 : vector<16xf32>
        %swap3A_362 = arith.index_cast %add3A_326 : i32 to index
        %swap3A_363 = arith.constant 48 : index
        %swap3A_364 = tpu.vector_load %arg11[%swap3A_362, %swap3A_363] {strides = array<i32>} : memref<128x64xf32, #tpu.memory_space<vmem>>, vector<1x16xf32>,
        %swap3A_365 = vector.shape_cast %swap3A_364 : vector<1x16xf32> to vector<16xf32>
        %swap3A_366 = vector.shape_cast %mul3A_361 : vector<16xf32> to vector<1x16xf32>
        tpu.vector_store %arg11[%swap3A_362, %swap3A_363], %swap3A_366 {strides = array<i32>} : memref<128x64xf32, #tpu.memory_space<vmem>>, vector<1x16xf32>,
        %broadcast_in_dim3A_367 = arith.constant 5 : i32
        %broadcast_in_dim3A_368 = vector.broadcast %broadcast_in_dim3A_367 : i32 to vector<16x1xi32>
        %gather3A_369 = vector.shape_cast %broadcast_in_dim3A_368 : vector<16x1xi32> to vector<16xi32>
        %gather3A_370 = tpu.dynamic_gather %get3A_127[%gather3A_369] in [0] : vector<16xf32>, vector<16xi32> -> vector<16xf32>
        %mul3A_371 = arith.constant 16 : i32
        %mul3A_372 = arith.muli %scan3A_122, %mul3A_371 : i32
        %add3A_373 = arith.constant 5 : i32
        %add3A_374 = arith.addi %mul3A_372, %add3A_373 : i32
        %get3A_375 = arith.index_cast %add3A_374 : i32 to index
        %get3A_376 = arith.constant 0 : index
        %get3A_377 = tpu.vector_load %arg11[%get3A_375, %get3A_376] {strides = array<i32>} : memref<128x64xf32, #tpu.memory_space<vmem>>, vector<1x16xf32>,
        %get3A_378 = vector.shape_cast %get3A_377 : vector<1x16xf32> to vector<16xf32>
        %mul3A_379 = arith.mulf %get3A_378, %gather3A_370 : vector<16xf32>
        %swap3A_380 = arith.index_cast %add3A_374 : i32 to index
        %swap3A_381 = arith.constant 0 : index
        %swap3A_382 = tpu.vector_load %arg11[%swap3A_380, %swap3A_381] {strides = array<i32>} : memref<128x64xf32, #tpu.memory_space<vmem>>, vector<1x16xf32>,
        %swap3A_383 = vector.shape_cast %swap3A_382 : vector<1x16xf32> to vector<16xf32>
        %swap3A_384 = vector.shape_cast %mul3A_379 : vector<16xf32> to vector<1x16xf32>
        tpu.vector_store %arg11[%swap3A_380, %swap3A_381], %swap3A_384 {strides = array<i32>} : memref<128x64xf32, #tpu.memory_space<vmem>>, vector<1x16xf32>,
        %get3A_385 = arith.index_cast %add3A_374 : i32 to index
        %get3A_386 = arith.constant 16 : index
        %get3A_387 = tpu.vector_load %arg11[%get3A_385, %get3A_386] {strides = array<i32>} : memref<128x64xf32, #tpu.memory_space<vmem>>, vector<1x16xf32>,
        %get3A_388 = vector.shape_cast %get3A_387 : vector<1x16xf32> to vector<16xf32>
        %mul3A_389 = arith.mulf %get3A_388, %gather3A_370 : vector<16xf32>
        %swap3A_390 = arith.index_cast %add3A_374 : i32 to index
        %swap3A_391 = arith.constant 16 : index
        %swap3A_392 = tpu.vector_load %arg11[%swap3A_390, %swap3A_391] {strides = array<i32>} : memref<128x64xf32, #tpu.memory_space<vmem>>, vector<1x16xf32>,
        %swap3A_393 = vector.shape_cast %swap3A_392 : vector<1x16xf32> to vector<16xf32>
        %swap3A_394 = vector.shape_cast %mul3A_389 : vector<16xf32> to vector<1x16xf32>
        tpu.vector_store %arg11[%swap3A_390, %swap3A_391], %swap3A_394 {strides = array<i32>} : memref<128x64xf32, #tpu.memory_space<vmem>>, vector<1x16xf32>,
        %get3A_395 = arith.index_cast %add3A_374 : i32 to index
        %get3A_396 = arith.constant 32 : index
        %get3A_397 = tpu.vector_load %arg11[%get3A_395, %get3A_396] {strides = array<i32>} : memref<128x64xf32, #tpu.memory_space<vmem>>, vector<1x16xf32>,
        %get3A_398 = vector.shape_cast %get3A_397 : vector<1x16xf32> to vector<16xf32>
        %mul3A_399 = arith.mulf %get3A_398, %gather3A_370 : vector<16xf32>
        %swap3A_400 = arith.index_cast %add3A_374 : i32 to index
        %swap3A_401 = arith.constant 32 : index
        %swap3A_402 = tpu.vector_load %arg11[%swap3A_400, %swap3A_401] {strides = array<i32>} : memref<128x64xf32, #tpu.memory_space<vmem>>, vector<1x16xf32>,
        %swap3A_403 = vector.shape_cast %swap3A_402 : vector<1x16xf32> to vector<16xf32>
        %swap3A_404 = vector.shape_cast %mul3A_399 : vector<16xf32> to vector<1x16xf32>
        tpu.vector_store %arg11[%swap3A_400, %swap3A_401], %swap3A_404 {strides = array<i32>} : memref<128x64xf32, #tpu.memory_space<vmem>>, vector<1x16xf32>,
        %get3A_405 = arith.index_cast %add3A_374 : i32 to index
        %get3A_406 = arith.constant 48 : index
        %get3A_407 = tpu.vector_load %arg11[%get3A_405, %get3A_406] {strides = array<i32>} : memref<128x64xf32, #tpu.memory_space<vmem>>, vector<1x16xf32>,
        %get3A_408 = vector.shape_cast %get3A_407 : vector<1x16xf32> to vector<16xf32>
        %mul3A_409 = arith.mulf %get3A_408, %gather3A_370 : vector<16xf32>
        %swap3A_410 = arith.index_cast %add3A_374 : i32 to index
        %swap3A_411 = arith.constant 48 : index
        %swap3A_412 = tpu.vector_load %arg11[%swap3A_410, %swap3A_411] {strides = array<i32>} : memref<128x64xf32, #tpu.memory_space<vmem>>, vector<1x16xf32>,
        %swap3A_413 = vector.shape_cast %swap3A_412 : vector<1x16xf32> to vector<16xf32>
        %swap3A_414 = vector.shape_cast %mul3A_409 : vector<16xf32> to vector<1x16xf32>
        tpu.vector_store %arg11[%swap3A_410, %swap3A_411], %swap3A_414 {strides = array<i32>} : memref<128x64xf32, #tpu.memory_space<vmem>>, vector<1x16xf32>,
        %broadcast_in_dim3A_415 = arith.constant 6 : i32
        %broadcast_in_dim3A_416 = vector.broadcast %broadcast_in_dim3A_415 : i32 to vector<16x1xi32>
        %gather3A_417 = vector.shape_cast %broadcast_in_dim3A_416 : vector<16x1xi32> to vector<16xi32>
        %gather3A_418 = tpu.dynamic_gather %get3A_127[%gather3A_417] in [0] : vector<16xf32>, vector<16xi32> -> vector<16xf32>
        %mul3A_419 = arith.constant 16 : i32
        %mul3A_420 = arith.muli %scan3A_122, %mul3A_419 : i32
        %add3A_421 = arith.constant 6 : i32
        %add3A_422 = arith.addi %mul3A_420, %add3A_421 : i32
        %get3A_423 = arith.index_cast %add3A_422 : i32 to index
        %get3A_424 = arith.constant 0 : index
        %get3A_425 = tpu.vector_load %arg11[%get3A_423, %get3A_424] {strides = array<i32>} : memref<128x64xf32, #tpu.memory_space<vmem>>, vector<1x16xf32>,
        %get3A_426 = vector.shape_cast %get3A_425 : vector<1x16xf32> to vector<16xf32>
        %mul3A_427 = arith.mulf %get3A_426, %gather3A_418 : vector<16xf32>
        %swap3A_428 = arith.index_cast %add3A_422 : i32 to index
        %swap3A_429 = arith.constant 0 : index
        %swap3A_430 = tpu.vector_load %arg11[%swap3A_428, %swap3A_429] {strides = array<i32>} : memref<128x64xf32, #tpu.memory_space<vmem>>, vector<1x16xf32>,
        %swap3A_431 = vector.shape_cast %swap3A_430 : vector<1x16xf32> to vector<16xf32>
        %swap3A_432 = vector.shape_cast %mul3A_427 : vector<16xf32> to vector<1x16xf32>
        tpu.vector_store %arg11[%swap3A_428, %swap3A_429], %swap3A_432 {strides = array<i32>} : memref<128x64xf32, #tpu.memory_space<vmem>>, vector<1x16xf32>,
        %get3A_433 = arith.index_cast %add3A_422 : i32 to index
        %get3A_434 = arith.constant 16 : index
        %get3A_435 = tpu.vector_load %arg11[%get3A_433, %get3A_434] {strides = array<i32>} : memref<128x64xf32, #tpu.memory_space<vmem>>, vector<1x16xf32>,
        %get3A_436 = vector.shape_cast %get3A_435 : vector<1x16xf32> to vector<16xf32>
        %mul3A_437 = arith.mulf %get3A_436, %gather3A_418 : vector<16xf32>
        %swap3A_438 = arith.index_cast %add3A_422 : i32 to index
        %swap3A_439 = arith.constant 16 : index
        %swap3A_440 = tpu.vector_load %arg11[%swap3A_438, %swap3A_439] {strides = array<i32>} : memref<128x64xf32, #tpu.memory_space<vmem>>, vector<1x16xf32>,
        %swap3A_441 = vector.shape_cast %swap3A_440 : vector<1x16xf32> to vector<16xf32>
        %swap3A_442 = vector.shape_cast %mul3A_437 : vector<16xf32> to vector<1x16xf32>
        tpu.vector_store %arg11[%swap3A_438, %swap3A_439], %swap3A_442 {strides = array<i32>} : memref<128x64xf32, #tpu.memory_space<vmem>>, vector<1x16xf32>,
        %get3A_443 = arith.index_cast %add3A_422 : i32 to index
        %get3A_444 = arith.constant 32 : index
        %get3A_445 = tpu.vector_load %arg11[%get3A_443, %get3A_444] {strides = array<i32>} : memref<128x64xf32, #tpu.memory_space<vmem>>, vector<1x16xf32>,
        %get3A_446 = vector.shape_cast %get3A_445 : vector<1x16xf32> to vector<16xf32>
        %mul3A_447 = arith.mulf %get3A_446, %gather3A_418 : vector<16xf32>
        %swap3A_448 = arith.index_cast %add3A_422 : i32 to index
        %swap3A_449 = arith.constant 32 : index
        %swap3A_450 = tpu.vector_load %arg11[%swap3A_448, %swap3A_449] {strides = array<i32>} : memref<128x64xf32, #tpu.memory_space<vmem>>, vector<1x16xf32>,
        %swap3A_451 = vector.shape_cast %swap3A_450 : vector<1x16xf32> to vector<16xf32>
        %swap3A_452 = vector.shape_cast %mul3A_447 : vector<16xf32> to vector<1x16xf32>
        tpu.vector_store %arg11[%swap3A_448, %swap3A_449], %swap3A_452 {strides = array<i32>} : memref<128x64xf32, #tpu.memory_space<vmem>>, vector<1x16xf32>,
        %get3A_453 = arith.index_cast %add3A_422 : i32 to index
        %get3A_454 = arith.constant 48 : index
        %get3A_455 = tpu.vector_load %arg11[%get3A_453, %get3A_454] {strides = array<i32>} : memref<128x64xf32, #tpu.memory_space<vmem>>, vector<1x16xf32>,
        %get3A_456 = vector.shape_cast %get3A_455 : vector<1x16xf32> to vector<16xf32>
        %mul3A_457 = arith.mulf %get3A_456, %gather3A_418 : vector<16xf32>
        %swap3A_458 = arith.index_cast %add3A_422 : i32 to index
        %swap3A_459 = arith.constant 48 : index
        %swap3A_460 = tpu.vector_load %arg11[%swap3A_458, %swap3A_459] {strides = array<i32>} : memref<128x64xf32, #tpu.memory_space<vmem>>, vector<1x16xf32>,
        %swap3A_461 = vector.shape_cast %swap3A_460 : vector<1x16xf32> to vector<16xf32>
        %swap3A_462 = vector.shape_cast %mul3A_457 : vector<16xf32> to vector<1x16xf32>
        tpu.vector_store %arg11[%swap3A_458, %swap3A_459], %swap3A_462 {strides = array<i32>} : memref<128x64xf32, #tpu.memory_space<vmem>>, vector<1x16xf32>,
        %broadcast_in_dim3A_463 = arith.constant 7 : i32
        %broadcast_in_dim3A_464 = vector.broadcast %broadcast_in_dim3A_463 : i32 to vector<16x1xi32>
        %gather3A_465 = vector.shape_cast %broadcast_in_dim3A_464 : vector<16x1xi32> to vector<16xi32>
        %gather3A_466 = tpu.dynamic_gather %get3A_127[%gather3A_465] in [0] : vector<16xf32>, vector<16xi32> -> vector<16xf32>
        %mul3A_467 = arith.constant 16 : i32
        %mul3A_468 = arith.muli %scan3A_122, %mul3A_467 : i32
        %add3A_469 = arith.constant 7 : i32
        %add3A_470 = arith.addi %mul3A_468, %add3A_469 : i32
        %get3A_471 = arith.index_cast %add3A_470 : i32 to index
        %get3A_472 = arith.constant 0 : index
        %get3A_473 = tpu.vector_load %arg11[%get3A_471, %get3A_472] {strides = array<i32>} : memref<128x64xf32, #tpu.memory_space<vmem>>, vector<1x16xf32>,
        %get3A_474 = vector.shape_cast %get3A_473 : vector<1x16xf32> to vector<16xf32>
        %mul3A_475 = arith.mulf %get3A_474, %gather3A_466 : vector<16xf32>
        %swap3A_476 = arith.index_cast %add3A_470 : i32 to index
        %swap3A_477 = arith.constant 0 : index
        %swap3A_478 = tpu.vector_load %arg11[%swap3A_476, %swap3A_477] {strides = array<i32>} : memref<128x64xf32, #tpu.memory_space<vmem>>, vector<1x16xf32>,
        %swap3A_479 = vector.shape_cast %swap3A_478 : vector<1x16xf32> to vector<16xf32>
        %swap3A_480 = vector.shape_cast %mul3A_475 : vector<16xf32> to vector<1x16xf32>
        tpu.vector_store %arg11[%swap3A_476, %swap3A_477], %swap3A_480 {strides = array<i32>} : memref<128x64xf32, #tpu.memory_space<vmem>>, vector<1x16xf32>,
        %get3A_481 = arith.index_cast %add3A_470 : i32 to index
        %get3A_482 = arith.constant 16 : index
        %get3A_483 = tpu.vector_load %arg11[%get3A_481, %get3A_482] {strides = array<i32>} : memref<128x64xf32, #tpu.memory_space<vmem>>, vector<1x16xf32>,
        %get3A_484 = vector.shape_cast %get3A_483 : vector<1x16xf32> to vector<16xf32>
        %mul3A_485 = arith.mulf %get3A_484, %gather3A_466 : vector<16xf32>
        %swap3A_486 = arith.index_cast %add3A_470 : i32 to index
        %swap3A_487 = arith.constant 16 : index
        %swap3A_488 = tpu.vector_load %arg11[%swap3A_486, %swap3A_487] {strides = array<i32>} : memref<128x64xf32, #tpu.memory_space<vmem>>, vector<1x16xf32>,
        %swap3A_489 = vector.shape_cast %swap3A_488 : vector<1x16xf32> to vector<16xf32>
        %swap3A_490 = vector.shape_cast %mul3A_485 : vector<16xf32> to vector<1x16xf32>
        tpu.vector_store %arg11[%swap3A_486, %swap3A_487], %swap3A_490 {strides = array<i32>} : memref<128x64xf32, #tpu.memory_space<vmem>>, vector<1x16xf32>,
        %get3A_491 = arith.index_cast %add3A_470 : i32 to index
        %get3A_492 = arith.constant 32 : index
        %get3A_493 = tpu.vector_load %arg11[%get3A_491, %get3A_492] {strides = array<i32>} : memref<128x64xf32, #tpu.memory_space<vmem>>, vector<1x16xf32>,
        %get3A_494 = vector.shape_cast %get3A_493 : vector<1x16xf32> to vector<16xf32>
        %mul3A_495 = arith.mulf %get3A_494, %gather3A_466 : vector<16xf32>
        %swap3A_496 = arith.index_cast %add3A_470 : i32 to index
        %swap3A_497 = arith.constant 32 : index
        %swap3A_498 = tpu.vector_load %arg11[%swap3A_496, %swap3A_497] {strides = array<i32>} : memref<128x64xf32, #tpu.memory_space<vmem>>, vector<1x16xf32>,
        %swap3A_499 = vector.shape_cast %swap3A_498 : vector<1x16xf32> to vector<16xf32>
        %swap3A_500 = vector.shape_cast %mul3A_495 : vector<16xf32> to vector<1x16xf32>
        tpu.vector_store %arg11[%swap3A_496, %swap3A_497], %swap3A_500 {strides = array<i32>} : memref<128x64xf32, #tpu.memory_space<vmem>>, vector<1x16xf32>,
        %get3A_501 = arith.index_cast %add3A_470 : i32 to index
        %get3A_502 = arith.constant 48 : index
        %get3A_503 = tpu.vector_load %arg11[%get3A_501, %get3A_502] {strides = array<i32>} : memref<128x64xf32, #tpu.memory_space<vmem>>, vector<1x16xf32>,
        %get3A_504 = vector.shape_cast %get3A_503 : vector<1x16xf32> to vector<16xf32>
        %mul3A_505 = arith.mulf %get3A_504, %gather3A_466 : vector<16xf32>
        %swap3A_506 = arith.index_cast %add3A_470 : i32 to index
        %swap3A_507 = arith.constant 48 : index
        %swap3A_508 = tpu.vector_load %arg11[%swap3A_506, %swap3A_507] {strides = array<i32>} : memref<128x64xf32, #tpu.memory_space<vmem>>, vector<1x16xf32>,
        %swap3A_509 = vector.shape_cast %swap3A_508 : vector<1x16xf32> to vector<16xf32>
        %swap3A_510 = vector.shape_cast %mul3A_505 : vector<16xf32> to vector<1x16xf32>
        tpu.vector_store %arg11[%swap3A_506, %swap3A_507], %swap3A_510 {strides = array<i32>} : memref<128x64xf32, #tpu.memory_space<vmem>>, vector<1x16xf32>,
        %broadcast_in_dim3A_511 = arith.constant 8 : i32
        %broadcast_in_dim3A_512 = vector.broadcast %broadcast_in_dim3A_511 : i32 to vector<16x1xi32>
        %gather3A_513 = vector.shape_cast %broadcast_in_dim3A_512 : vector<16x1xi32> to vector<16xi32>
        %gather3A_514 = tpu.dynamic_gather %get3A_127[%gather3A_513] in [0] : vector<16xf32>, vector<16xi32> -> vector<16xf32>
        %mul3A_515 = arith.constant 16 : i32
        %mul3A_516 = arith.muli %scan3A_122, %mul3A_515 : i32
        %add3A_517 = arith.constant 8 : i32
        %add3A_518 = arith.addi %mul3A_516, %add3A_517 : i32
        %get3A_519 = arith.index_cast %add3A_518 : i32 to index
        %get3A_520 = arith.constant 0 : index
        %get3A_521 = tpu.vector_load %arg11[%get3A_519, %get3A_520] {strides = array<i32>} : memref<128x64xf32, #tpu.memory_space<vmem>>, vector<1x16xf32>,
        %get3A_522 = vector.shape_cast %get3A_521 : vector<1x16xf32> to vector<16xf32>
        %mul3A_523 = arith.mulf %get3A_522, %gather3A_514 : vector<16xf32>
        %swap3A_524 = arith.index_cast %add3A_518 : i32 to index
        %swap3A_525 = arith.constant 0 : index
        %swap3A_526 = tpu.vector_load %arg11[%swap3A_524, %swap3A_525] {strides = array<i32>} : memref<128x64xf32, #tpu.memory_space<vmem>>, vector<1x16xf32>,
        %swap3A_527 = vector.shape_cast %swap3A_526 : vector<1x16xf32> to vector<16xf32>
        %swap3A_528 = vector.shape_cast %mul3A_523 : vector<16xf32> to vector<1x16xf32>
        tpu.vector_store %arg11[%swap3A_524, %swap3A_525], %swap3A_528 {strides = array<i32>} : memref<128x64xf32, #tpu.memory_space<vmem>>, vector<1x16xf32>,
        %get3A_529 = arith.index_cast %add3A_518 : i32 to index
        %get3A_530 = arith.constant 16 : index
        %get3A_531 = tpu.vector_load %arg11[%get3A_529, %get3A_530] {strides = array<i32>} : memref<128x64xf32, #tpu.memory_space<vmem>>, vector<1x16xf32>,
        %get3A_532 = vector.shape_cast %get3A_531 : vector<1x16xf32> to vector<16xf32>
        %mul3A_533 = arith.mulf %get3A_532, %gather3A_514 : vector<16xf32>
        %swap3A_534 = arith.index_cast %add3A_518 : i32 to index
        %swap3A_535 = arith.constant 16 : index
        %swap3A_536 = tpu.vector_load %arg11[%swap3A_534, %swap3A_535] {strides = array<i32>} : memref<128x64xf32, #tpu.memory_space<vmem>>, vector<1x16xf32>,
        %swap3A_537 = vector.shape_cast %swap3A_536 : vector<1x16xf32> to vector<16xf32>
        %swap3A_538 = vector.shape_cast %mul3A_533 : vector<16xf32> to vector<1x16xf32>
        tpu.vector_store %arg11[%swap3A_534, %swap3A_535], %swap3A_538 {strides = array<i32>} : memref<128x64xf32, #tpu.memory_space<vmem>>, vector<1x16xf32>,
        %get3A_539 = arith.index_cast %add3A_518 : i32 to index
        %get3A_540 = arith.constant 32 : index
        %get3A_541 = tpu.vector_load %arg11[%get3A_539, %get3A_540] {strides = array<i32>} : memref<128x64xf32, #tpu.memory_space<vmem>>, vector<1x16xf32>,
        %get3A_542 = vector.shape_cast %get3A_541 : vector<1x16xf32> to vector<16xf32>
        %mul3A_543 = arith.mulf %get3A_542, %gather3A_514 : vector<16xf32>
        %swap3A_544 = arith.index_cast %add3A_518 : i32 to index
        %swap3A_545 = arith.constant 32 : index
        %swap3A_546 = tpu.vector_load %arg11[%swap3A_544, %swap3A_545] {strides = array<i32>} : memref<128x64xf32, #tpu.memory_space<vmem>>, vector<1x16xf32>,
        %swap3A_547 = vector.shape_cast %swap3A_546 : vector<1x16xf32> to vector<16xf32>
        %swap3A_548 = vector.shape_cast %mul3A_543 : vector<16xf32> to vector<1x16xf32>
        tpu.vector_store %arg11[%swap3A_544, %swap3A_545], %swap3A_548 {strides = array<i32>} : memref<128x64xf32, #tpu.memory_space<vmem>>, vector<1x16xf32>,
        %get3A_549 = arith.index_cast %add3A_518 : i32 to index
        %get3A_550 = arith.constant 48 : index
        %get3A_551 = tpu.vector_load %arg11[%get3A_549, %get3A_550] {strides = array<i32>} : memref<128x64xf32, #tpu.memory_space<vmem>>, vector<1x16xf32>,
        %get3A_552 = vector.shape_cast %get3A_551 : vector<1x16xf32> to vector<16xf32>
        %mul3A_553 = arith.mulf %get3A_552, %gather3A_514 : vector<16xf32>
        %swap3A_554 = arith.index_cast %add3A_518 : i32 to index
        %swap3A_555 = arith.constant 48 : index
        %swap3A_556 = tpu.vector_load %arg11[%swap3A_554, %swap3A_555] {strides = array<i32>} : memref<128x64xf32, #tpu.memory_space<vmem>>, vector<1x16xf32>,
        %swap3A_557 = vector.shape_cast %swap3A_556 : vector<1x16xf32> to vector<16xf32>
        %swap3A_558 = vector.shape_cast %mul3A_553 : vector<16xf32> to vector<1x16xf32>
        tpu.vector_store %arg11[%swap3A_554, %swap3A_555], %swap3A_558 {strides = array<i32>} : memref<128x64xf32, #tpu.memory_space<vmem>>, vector<1x16xf32>,
        %broadcast_in_dim3A_559 = arith.constant 9 : i32
        %broadcast_in_dim3A_560 = vector.broadcast %broadcast_in_dim3A_559 : i32 to vector<16x1xi32>
        %gather3A_561 = vector.shape_cast %broadcast_in_dim3A_560 : vector<16x1xi32> to vector<16xi32>
        %gather3A_562 = tpu.dynamic_gather %get3A_127[%gather3A_561] in [0] : vector<16xf32>, vector<16xi32> -> vector<16xf32>
        %mul3A_563 = arith.constant 16 : i32
        %mul3A_564 = arith.muli %scan3A_122, %mul3A_563 : i32
        %add3A_565 = arith.constant 9 : i32
        %add3A_566 = arith.addi %mul3A_564, %add3A_565 : i32
        %get3A_567 = arith.index_cast %add3A_566 : i32 to index
        %get3A_568 = arith.constant 0 : index
        %get3A_569 = tpu.vector_load %arg11[%get3A_567, %get3A_568] {strides = array<i32>} : memref<128x64xf32, #tpu.memory_space<vmem>>, vector<1x16xf32>,
        %get3A_570 = vector.shape_cast %get3A_569 : vector<1x16xf32> to vector<16xf32>
        %mul3A_571 = arith.mulf %get3A_570, %gather3A_562 : vector<16xf32>
        %swap3A_572 = arith.index_cast %add3A_566 : i32 to index
        %swap3A_573 = arith.constant 0 : index
        %swap3A_574 = tpu.vector_load %arg11[%swap3A_572, %swap3A_573] {strides = array<i32>} : memref<128x64xf32, #tpu.memory_space<vmem>>, vector<1x16xf32>,
        %swap3A_575 = vector.shape_cast %swap3A_574 : vector<1x16xf32> to vector<16xf32>
        %swap3A_576 = vector.shape_cast %mul3A_571 : vector<16xf32> to vector<1x16xf32>
        tpu.vector_store %arg11[%swap3A_572, %swap3A_573], %swap3A_576 {strides = array<i32>} : memref<128x64xf32, #tpu.memory_space<vmem>>, vector<1x16xf32>,
        %get3A_577 = arith.index_cast %add3A_566 : i32 to index
        %get3A_578 = arith.constant 16 : index
        %get3A_579 = tpu.vector_load %arg11[%get3A_577, %get3A_578] {strides = array<i32>} : memref<128x64xf32, #tpu.memory_space<vmem>>, vector<1x16xf32>,
        %get3A_580 = vector.shape_cast %get3A_579 : vector<1x16xf32> to vector<16xf32>
        %mul3A_581 = arith.mulf %get3A_580, %gather3A_562 : vector<16xf32>
        %swap3A_582 = arith.index_cast %add3A_566 : i32 to index
        %swap3A_583 = arith.constant 16 : index
        %swap3A_584 = tpu.vector_load %arg11[%swap3A_582, %swap3A_583] {strides = array<i32>} : memref<128x64xf32, #tpu.memory_space<vmem>>, vector<1x16xf32>,
        %swap3A_585 = vector.shape_cast %swap3A_584 : vector<1x16xf32> to vector<16xf32>
        %swap3A_586 = vector.shape_cast %mul3A_581 : vector<16xf32> to vector<1x16xf32>
        tpu.vector_store %arg11[%swap3A_582, %swap3A_583], %swap3A_586 {strides = array<i32>} : memref<128x64xf32, #tpu.memory_space<vmem>>, vector<1x16xf32>,
        %get3A_587 = arith.index_cast %add3A_566 : i32 to index
        %get3A_588 = arith.constant 32 : index
        %get3A_589 = tpu.vector_load %arg11[%get3A_587, %get3A_588] {strides = array<i32>} : memref<128x64xf32, #tpu.memory_space<vmem>>, vector<1x16xf32>,
        %get3A_590 = vector.shape_cast %get3A_589 : vector<1x16xf32> to vector<16xf32>
        %mul3A_591 = arith.mulf %get3A_590, %gather3A_562 : vector<16xf32>
        %swap3A_592 = arith.index_cast %add3A_566 : i32 to index
        %swap3A_593 = arith.constant 32 : index
        %swap3A_594 = tpu.vector_load %arg11[%swap3A_592, %swap3A_593] {strides = array<i32>} : memref<128x64xf32, #tpu.memory_space<vmem>>, vector<1x16xf32>,
        %swap3A_595 = vector.shape_cast %swap3A_594 : vector<1x16xf32> to vector<16xf32>
        %swap3A_596 = vector.shape_cast %mul3A_591 : vector<16xf32> to vector<1x16xf32>
        tpu.vector_store %arg11[%swap3A_592, %swap3A_593], %swap3A_596 {strides = array<i32>} : memref<128x64xf32, #tpu.memory_space<vmem>>, vector<1x16xf32>,
        %get3A_597 = arith.index_cast %add3A_566 : i32 to index
        %get3A_598 = arith.constant 48 : index
        %get3A_599 = tpu.vector_load %arg11[%get3A_597, %get3A_598] {strides = array<i32>} : memref<128x64xf32, #tpu.memory_space<vmem>>, vector<1x16xf32>,
        %get3A_600 = vector.shape_cast %get3A_599 : vector<1x16xf32> to vector<16xf32>
        %mul3A_601 = arith.mulf %get3A_600, %gather3A_562 : vector<16xf32>
        %swap3A_602 = arith.index_cast %add3A_566 : i32 to index
        %swap3A_603 = arith.constant 48 : index
        %swap3A_604 = tpu.vector_load %arg11[%swap3A_602, %swap3A_603] {strides = array<i32>} : memref<128x64xf32, #tpu.memory_space<vmem>>, vector<1x16xf32>,
        %swap3A_605 = vector.shape_cast %swap3A_604 : vector<1x16xf32> to vector<16xf32>
        %swap3A_606 = vector.shape_cast %mul3A_601 : vector<16xf32> to vector<1x16xf32>
        tpu.vector_store %arg11[%swap3A_602, %swap3A_603], %swap3A_606 {strides = array<i32>} : memref<128x64xf32, #tpu.memory_space<vmem>>, vector<1x16xf32>,
        %broadcast_in_dim3A_607 = arith.constant 10 : i32
        %broadcast_in_dim3A_608 = vector.broadcast %broadcast_in_dim3A_607 : i32 to vector<16x1xi32>
        %gather3A_609 = vector.shape_cast %broadcast_in_dim3A_608 : vector<16x1xi32> to vector<16xi32>
        %gather3A_610 = tpu.dynamic_gather %get3A_127[%gather3A_609] in [0] : vector<16xf32>, vector<16xi32> -> vector<16xf32>
        %mul3A_611 = arith.constant 16 : i32
        %mul3A_612 = arith.muli %scan3A_122, %mul3A_611 : i32
        %add3A_613 = arith.constant 10 : i32
        %add3A_614 = arith.addi %mul3A_612, %add3A_613 : i32
        %get3A_615 = arith.index_cast %add3A_614 : i32 to index
        %get3A_616 = arith.constant 0 : index
        %get3A_617 = tpu.vector_load %arg11[%get3A_615, %get3A_616] {strides = array<i32>} : memref<128x64xf32, #tpu.memory_space<vmem>>, vector<1x16xf32>,
        %get3A_618 = vector.shape_cast %get3A_617 : vector<1x16xf32> to vector<16xf32>
        %mul3A_619 = arith.mulf %get3A_618, %gather3A_610 : vector<16xf32>
        %swap3A_620 = arith.index_cast %add3A_614 : i32 to index
        %swap3A_621 = arith.constant 0 : index
        %swap3A_622 = tpu.vector_load %arg11[%swap3A_620, %swap3A_621] {strides = array<i32>} : memref<128x64xf32, #tpu.memory_space<vmem>>, vector<1x16xf32>,
        %swap3A_623 = vector.shape_cast %swap3A_622 : vector<1x16xf32> to vector<16xf32>
        %swap3A_624 = vector.shape_cast %mul3A_619 : vector<16xf32> to vector<1x16xf32>
        tpu.vector_store %arg11[%swap3A_620, %swap3A_621], %swap3A_624 {strides = array<i32>} : memref<128x64xf32, #tpu.memory_space<vmem>>, vector<1x16xf32>,
        %get3A_625 = arith.index_cast %add3A_614 : i32 to index
        %get3A_626 = arith.constant 16 : index
        %get3A_627 = tpu.vector_load %arg11[%get3A_625, %get3A_626] {strides = array<i32>} : memref<128x64xf32, #tpu.memory_space<vmem>>, vector<1x16xf32>,
        %get3A_628 = vector.shape_cast %get3A_627 : vector<1x16xf32> to vector<16xf32>
        %mul3A_629 = arith.mulf %get3A_628, %gather3A_610 : vector<16xf32>
        %swap3A_630 = arith.index_cast %add3A_614 : i32 to index
        %swap3A_631 = arith.constant 16 : index
        %swap3A_632 = tpu.vector_load %arg11[%swap3A_630, %swap3A_631] {strides = array<i32>} : memref<128x64xf32, #tpu.memory_space<vmem>>, vector<1x16xf32>,
        %swap3A_633 = vector.shape_cast %swap3A_632 : vector<1x16xf32> to vector<16xf32>
        %swap3A_634 = vector.shape_cast %mul3A_629 : vector<16xf32> to vector<1x16xf32>
        tpu.vector_store %arg11[%swap3A_630, %swap3A_631], %swap3A_634 {strides = array<i32>} : memref<128x64xf32, #tpu.memory_space<vmem>>, vector<1x16xf32>,
        %get3A_635 = arith.index_cast %add3A_614 : i32 to index
        %get3A_636 = arith.constant 32 : index
        %get3A_637 = tpu.vector_load %arg11[%get3A_635, %get3A_636] {strides = array<i32>} : memref<128x64xf32, #tpu.memory_space<vmem>>, vector<1x16xf32>,
        %get3A_638 = vector.shape_cast %get3A_637 : vector<1x16xf32> to vector<16xf32>
        %mul3A_639 = arith.mulf %get3A_638, %gather3A_610 : vector<16xf32>
        %swap3A_640 = arith.index_cast %add3A_614 : i32 to index
        %swap3A_641 = arith.constant 32 : index
        %swap3A_642 = tpu.vector_load %arg11[%swap3A_640, %swap3A_641] {strides = array<i32>} : memref<128x64xf32, #tpu.memory_space<vmem>>, vector<1x16xf32>,
        %swap3A_643 = vector.shape_cast %swap3A_642 : vector<1x16xf32> to vector<16xf32>
        %swap3A_644 = vector.shape_cast %mul3A_639 : vector<16xf32> to vector<1x16xf32>
        tpu.vector_store %arg11[%swap3A_640, %swap3A_641], %swap3A_644 {strides = array<i32>} : memref<128x64xf32, #tpu.memory_space<vmem>>, vector<1x16xf32>,
        %get3A_645 = arith.index_cast %add3A_614 : i32 to index
        %get3A_646 = arith.constant 48 : index
        %get3A_647 = tpu.vector_load %arg11[%get3A_645, %get3A_646] {strides = array<i32>} : memref<128x64xf32, #tpu.memory_space<vmem>>, vector<1x16xf32>,
        %get3A_648 = vector.shape_cast %get3A_647 : vector<1x16xf32> to vector<16xf32>
        %mul3A_649 = arith.mulf %get3A_648, %gather3A_610 : vector<16xf32>
        %swap3A_650 = arith.index_cast %add3A_614 : i32 to index
        %swap3A_651 = arith.constant 48 : index
        %swap3A_652 = tpu.vector_load %arg11[%swap3A_650, %swap3A_651] {strides = array<i32>} : memref<128x64xf32, #tpu.memory_space<vmem>>, vector<1x16xf32>,
        %swap3A_653 = vector.shape_cast %swap3A_652 : vector<1x16xf32> to vector<16xf32>
        %swap3A_654 = vector.shape_cast %mul3A_649 : vector<16xf32> to vector<1x16xf32>
        tpu.vector_store %arg11[%swap3A_650, %swap3A_651], %swap3A_654 {strides = array<i32>} : memref<128x64xf32, #tpu.memory_space<vmem>>, vector<1x16xf32>,
        %broadcast_in_dim3A_655 = arith.constant 11 : i32
        %broadcast_in_dim3A_656 = vector.broadcast %broadcast_in_dim3A_655 : i32 to vector<16x1xi32>
        %gather3A_657 = vector.shape_cast %broadcast_in_dim3A_656 : vector<16x1xi32> to vector<16xi32>
        %gather3A_658 = tpu.dynamic_gather %get3A_127[%gather3A_657] in [0] : vector<16xf32>, vector<16xi32> -> vector<16xf32>
        %mul3A_659 = arith.constant 16 : i32
        %mul3A_660 = arith.muli %scan3A_122, %mul3A_659 : i32
        %add3A_661 = arith.constant 11 : i32
        %add3A_662 = arith.addi %mul3A_660, %add3A_661 : i32
        %get3A_663 = arith.index_cast %add3A_662 : i32 to index
        %get3A_664 = arith.constant 0 : index
        %get3A_665 = tpu.vector_load %arg11[%get3A_663, %get3A_664] {strides = array<i32>} : memref<128x64xf32, #tpu.memory_space<vmem>>, vector<1x16xf32>,
        %get3A_666 = vector.shape_cast %get3A_665 : vector<1x16xf32> to vector<16xf32>
        %mul3A_667 = arith.mulf %get3A_666, %gather3A_658 : vector<16xf32>
        %swap3A_668 = arith.index_cast %add3A_662 : i32 to index
        %swap3A_669 = arith.constant 0 : index
        %swap3A_670 = tpu.vector_load %arg11[%swap3A_668, %swap3A_669] {strides = array<i32>} : memref<128x64xf32, #tpu.memory_space<vmem>>, vector<1x16xf32>,
        %swap3A_671 = vector.shape_cast %swap3A_670 : vector<1x16xf32> to vector<16xf32>
        %swap3A_672 = vector.shape_cast %mul3A_667 : vector<16xf32> to vector<1x16xf32>
        tpu.vector_store %arg11[%swap3A_668, %swap3A_669], %swap3A_672 {strides = array<i32>} : memref<128x64xf32, #tpu.memory_space<vmem>>, vector<1x16xf32>,
        %get3A_673 = arith.index_cast %add3A_662 : i32 to index
        %get3A_674 = arith.constant 16 : index
        %get3A_675 = tpu.vector_load %arg11[%get3A_673, %get3A_674] {strides = array<i32>} : memref<128x64xf32, #tpu.memory_space<vmem>>, vector<1x16xf32>,
        %get3A_676 = vector.shape_cast %get3A_675 : vector<1x16xf32> to vector<16xf32>
        %mul3A_677 = arith.mulf %get3A_676, %gather3A_658 : vector<16xf32>
        %swap3A_678 = arith.index_cast %add3A_662 : i32 to index
        %swap3A_679 = arith.constant 16 : index
        %swap3A_680 = tpu.vector_load %arg11[%swap3A_678, %swap3A_679] {strides = array<i32>} : memref<128x64xf32, #tpu.memory_space<vmem>>, vector<1x16xf32>,
        %swap3A_681 = vector.shape_cast %swap3A_680 : vector<1x16xf32> to vector<16xf32>
        %swap3A_682 = vector.shape_cast %mul3A_677 : vector<16xf32> to vector<1x16xf32>
        tpu.vector_store %arg11[%swap3A_678, %swap3A_679], %swap3A_682 {strides = array<i32>} : memref<128x64xf32, #tpu.memory_space<vmem>>, vector<1x16xf32>,
        %get3A_683 = arith.index_cast %add3A_662 : i32 to index
        %get3A_684 = arith.constant 32 : index
        %get3A_685 = tpu.vector_load %arg11[%get3A_683, %get3A_684] {strides = array<i32>} : memref<128x64xf32, #tpu.memory_space<vmem>>, vector<1x16xf32>,
        %get3A_686 = vector.shape_cast %get3A_685 : vector<1x16xf32> to vector<16xf32>
        %mul3A_687 = arith.mulf %get3A_686, %gather3A_658 : vector<16xf32>
        %swap3A_688 = arith.index_cast %add3A_662 : i32 to index
        %swap3A_689 = arith.constant 32 : index
        %swap3A_690 = tpu.vector_load %arg11[%swap3A_688, %swap3A_689] {strides = array<i32>} : memref<128x64xf32, #tpu.memory_space<vmem>>, vector<1x16xf32>,
        %swap3A_691 = vector.shape_cast %swap3A_690 : vector<1x16xf32> to vector<16xf32>
        %swap3A_692 = vector.shape_cast %mul3A_687 : vector<16xf32> to vector<1x16xf32>
        tpu.vector_store %arg11[%swap3A_688, %swap3A_689], %swap3A_692 {strides = array<i32>} : memref<128x64xf32, #tpu.memory_space<vmem>>, vector<1x16xf32>,
        %get3A_693 = arith.index_cast %add3A_662 : i32 to index
        %get3A_694 = arith.constant 48 : index
        %get3A_695 = tpu.vector_load %arg11[%get3A_693, %get3A_694] {strides = array<i32>} : memref<128x64xf32, #tpu.memory_space<vmem>>, vector<1x16xf32>,
        %get3A_696 = vector.shape_cast %get3A_695 : vector<1x16xf32> to vector<16xf32>
        %mul3A_697 = arith.mulf %get3A_696, %gather3A_658 : vector<16xf32>
        %swap3A_698 = arith.index_cast %add3A_662 : i32 to index
        %swap3A_699 = arith.constant 48 : index
        %swap3A_700 = tpu.vector_load %arg11[%swap3A_698, %swap3A_699] {strides = array<i32>} : memref<128x64xf32, #tpu.memory_space<vmem>>, vector<1x16xf32>,
        %swap3A_701 = vector.shape_cast %swap3A_700 : vector<1x16xf32> to vector<16xf32>
        %swap3A_702 = vector.shape_cast %mul3A_697 : vector<16xf32> to vector<1x16xf32>
        tpu.vector_store %arg11[%swap3A_698, %swap3A_699], %swap3A_702 {strides = array<i32>} : memref<128x64xf32, #tpu.memory_space<vmem>>, vector<1x16xf32>,
        %broadcast_in_dim3A_703 = arith.constant 12 : i32
        %broadcast_in_dim3A_704 = vector.broadcast %broadcast_in_dim3A_703 : i32 to vector<16x1xi32>
        %gather3A_705 = vector.shape_cast %broadcast_in_dim3A_704 : vector<16x1xi32> to vector<16xi32>
        %gather3A_706 = tpu.dynamic_gather %get3A_127[%gather3A_705] in [0] : vector<16xf32>, vector<16xi32> -> vector<16xf32>
        %mul3A_707 = arith.constant 16 : i32
        %mul3A_708 = arith.muli %scan3A_122, %mul3A_707 : i32
        %add3A_709 = arith.constant 12 : i32
        %add3A_710 = arith.addi %mul3A_708, %add3A_709 : i32
        %get3A_711 = arith.index_cast %add3A_710 : i32 to index
        %get3A_712 = arith.constant 0 : index
        %get3A_713 = tpu.vector_load %arg11[%get3A_711, %get3A_712] {strides = array<i32>} : memref<128x64xf32, #tpu.memory_space<vmem>>, vector<1x16xf32>,
        %get3A_714 = vector.shape_cast %get3A_713 : vector<1x16xf32> to vector<16xf32>
        %mul3A_715 = arith.mulf %get3A_714, %gather3A_706 : vector<16xf32>
        %swap3A_716 = arith.index_cast %add3A_710 : i32 to index
        %swap3A_717 = arith.constant 0 : index
        %swap3A_718 = tpu.vector_load %arg11[%swap3A_716, %swap3A_717] {strides = array<i32>} : memref<128x64xf32, #tpu.memory_space<vmem>>, vector<1x16xf32>,
        %swap3A_719 = vector.shape_cast %swap3A_718 : vector<1x16xf32> to vector<16xf32>
        %swap3A_720 = vector.shape_cast %mul3A_715 : vector<16xf32> to vector<1x16xf32>
        tpu.vector_store %arg11[%swap3A_716, %swap3A_717], %swap3A_720 {strides = array<i32>} : memref<128x64xf32, #tpu.memory_space<vmem>>, vector<1x16xf32>,
        %get3A_721 = arith.index_cast %add3A_710 : i32 to index
        %get3A_722 = arith.constant 16 : index
        %get3A_723 = tpu.vector_load %arg11[%get3A_721, %get3A_722] {strides = array<i32>} : memref<128x64xf32, #tpu.memory_space<vmem>>, vector<1x16xf32>,
        %get3A_724 = vector.shape_cast %get3A_723 : vector<1x16xf32> to vector<16xf32>
        %mul3A_725 = arith.mulf %get3A_724, %gather3A_706 : vector<16xf32>
        %swap3A_726 = arith.index_cast %add3A_710 : i32 to index
        %swap3A_727 = arith.constant 16 : index
        %swap3A_728 = tpu.vector_load %arg11[%swap3A_726, %swap3A_727] {strides = array<i32>} : memref<128x64xf32, #tpu.memory_space<vmem>>, vector<1x16xf32>,
        %swap3A_729 = vector.shape_cast %swap3A_728 : vector<1x16xf32> to vector<16xf32>
        %swap3A_730 = vector.shape_cast %mul3A_725 : vector<16xf32> to vector<1x16xf32>
        tpu.vector_store %arg11[%swap3A_726, %swap3A_727], %swap3A_730 {strides = array<i32>} : memref<128x64xf32, #tpu.memory_space<vmem>>, vector<1x16xf32>,
        %get3A_731 = arith.index_cast %add3A_710 : i32 to index
        %get3A_732 = arith.constant 32 : index
        %get3A_733 = tpu.vector_load %arg11[%get3A_731, %get3A_732] {strides = array<i32>} : memref<128x64xf32, #tpu.memory_space<vmem>>, vector<1x16xf32>,
        %get3A_734 = vector.shape_cast %get3A_733 : vector<1x16xf32> to vector<16xf32>
        %mul3A_735 = arith.mulf %get3A_734, %gather3A_706 : vector<16xf32>
        %swap3A_736 = arith.index_cast %add3A_710 : i32 to index
        %swap3A_737 = arith.constant 32 : index
        %swap3A_738 = tpu.vector_load %arg11[%swap3A_736, %swap3A_737] {strides = array<i32>} : memref<128x64xf32, #tpu.memory_space<vmem>>, vector<1x16xf32>,
        %swap3A_739 = vector.shape_cast %swap3A_738 : vector<1x16xf32> to vector<16xf32>
        %swap3A_740 = vector.shape_cast %mul3A_735 : vector<16xf32> to vector<1x16xf32>
        tpu.vector_store %arg11[%swap3A_736, %swap3A_737], %swap3A_740 {strides = array<i32>} : memref<128x64xf32, #tpu.memory_space<vmem>>, vector<1x16xf32>,
        %get3A_741 = arith.index_cast %add3A_710 : i32 to index
        %get3A_742 = arith.constant 48 : index
        %get3A_743 = tpu.vector_load %arg11[%get3A_741, %get3A_742] {strides = array<i32>} : memref<128x64xf32, #tpu.memory_space<vmem>>, vector<1x16xf32>,
        %get3A_744 = vector.shape_cast %get3A_743 : vector<1x16xf32> to vector<16xf32>
        %mul3A_745 = arith.mulf %get3A_744, %gather3A_706 : vector<16xf32>
        %swap3A_746 = arith.index_cast %add3A_710 : i32 to index
        %swap3A_747 = arith.constant 48 : index
        %swap3A_748 = tpu.vector_load %arg11[%swap3A_746, %swap3A_747] {strides = array<i32>} : memref<128x64xf32, #tpu.memory_space<vmem>>, vector<1x16xf32>,
        %swap3A_749 = vector.shape_cast %swap3A_748 : vector<1x16xf32> to vector<16xf32>
        %swap3A_750 = vector.shape_cast %mul3A_745 : vector<16xf32> to vector<1x16xf32>
        tpu.vector_store %arg11[%swap3A_746, %swap3A_747], %swap3A_750 {strides = array<i32>} : memref<128x64xf32, #tpu.memory_space<vmem>>, vector<1x16xf32>,
        %broadcast_in_dim3A_751 = arith.constant 13 : i32
        %broadcast_in_dim3A_752 = vector.broadcast %broadcast_in_dim3A_751 : i32 to vector<16x1xi32>
        %gather3A_753 = vector.shape_cast %broadcast_in_dim3A_752 : vector<16x1xi32> to vector<16xi32>
        %gather3A_754 = tpu.dynamic_gather %get3A_127[%gather3A_753] in [0] : vector<16xf32>, vector<16xi32> -> vector<16xf32>
        %mul3A_755 = arith.constant 16 : i32
        %mul3A_756 = arith.muli %scan3A_122, %mul3A_755 : i32
        %add3A_757 = arith.constant 13 : i32
        %add3A_758 = arith.addi %mul3A_756, %add3A_757 : i32
        %get3A_759 = arith.index_cast %add3A_758 : i32 to index
        %get3A_760 = arith.constant 0 : index
        %get3A_761 = tpu.vector_load %arg11[%get3A_759, %get3A_760] {strides = array<i32>} : memref<128x64xf32, #tpu.memory_space<vmem>>, vector<1x16xf32>,
        %get3A_762 = vector.shape_cast %get3A_761 : vector<1x16xf32> to vector<16xf32>
        %mul3A_763 = arith.mulf %get3A_762, %gather3A_754 : vector<16xf32>
        %swap3A_764 = arith.index_cast %add3A_758 : i32 to index
        %swap3A_765 = arith.constant 0 : index
        %swap3A_766 = tpu.vector_load %arg11[%swap3A_764, %swap3A_765] {strides = array<i32>} : memref<128x64xf32, #tpu.memory_space<vmem>>, vector<1x16xf32>,
        %swap3A_767 = vector.shape_cast %swap3A_766 : vector<1x16xf32> to vector<16xf32>
        %swap3A_768 = vector.shape_cast %mul3A_763 : vector<16xf32> to vector<1x16xf32>
        tpu.vector_store %arg11[%swap3A_764, %swap3A_765], %swap3A_768 {strides = array<i32>} : memref<128x64xf32, #tpu.memory_space<vmem>>, vector<1x16xf32>,
        %get3A_769 = arith.index_cast %add3A_758 : i32 to index
        %get3A_770 = arith.constant 16 : index
        %get3A_771 = tpu.vector_load %arg11[%get3A_769, %get3A_770] {strides = array<i32>} : memref<128x64xf32, #tpu.memory_space<vmem>>, vector<1x16xf32>,
        %get3A_772 = vector.shape_cast %get3A_771 : vector<1x16xf32> to vector<16xf32>
        %mul3A_773 = arith.mulf %get3A_772, %gather3A_754 : vector<16xf32>
        %swap3A_774 = arith.index_cast %add3A_758 : i32 to index
        %swap3A_775 = arith.constant 16 : index
        %swap3A_776 = tpu.vector_load %arg11[%swap3A_774, %swap3A_775] {strides = array<i32>} : memref<128x64xf32, #tpu.memory_space<vmem>>, vector<1x16xf32>,
        %swap3A_777 = vector.shape_cast %swap3A_776 : vector<1x16xf32> to vector<16xf32>
        %swap3A_778 = vector.shape_cast %mul3A_773 : vector<16xf32> to vector<1x16xf32>
        tpu.vector_store %arg11[%swap3A_774, %swap3A_775], %swap3A_778 {strides = array<i32>} : memref<128x64xf32, #tpu.memory_space<vmem>>, vector<1x16xf32>,
        %get3A_779 = arith.index_cast %add3A_758 : i32 to index
        %get3A_780 = arith.constant 32 : index
        %get3A_781 = tpu.vector_load %arg11[%get3A_779, %get3A_780] {strides = array<i32>} : memref<128x64xf32, #tpu.memory_space<vmem>>, vector<1x16xf32>,
        %get3A_782 = vector.shape_cast %get3A_781 : vector<1x16xf32> to vector<16xf32>
        %mul3A_783 = arith.mulf %get3A_782, %gather3A_754 : vector<16xf32>
        %swap3A_784 = arith.index_cast %add3A_758 : i32 to index
        %swap3A_785 = arith.constant 32 : index
        %swap3A_786 = tpu.vector_load %arg11[%swap3A_784, %swap3A_785] {strides = array<i32>} : memref<128x64xf32, #tpu.memory_space<vmem>>, vector<1x16xf32>,
        %swap3A_787 = vector.shape_cast %swap3A_786 : vector<1x16xf32> to vector<16xf32>
        %swap3A_788 = vector.shape_cast %mul3A_783 : vector<16xf32> to vector<1x16xf32>
        tpu.vector_store %arg11[%swap3A_784, %swap3A_785], %swap3A_788 {strides = array<i32>} : memref<128x64xf32, #tpu.memory_space<vmem>>, vector<1x16xf32>,
        %get3A_789 = arith.index_cast %add3A_758 : i32 to index
        %get3A_790 = arith.constant 48 : index
        %get3A_791 = tpu.vector_load %arg11[%get3A_789, %get3A_790] {strides = array<i32>} : memref<128x64xf32, #tpu.memory_space<vmem>>, vector<1x16xf32>,
        %get3A_792 = vector.shape_cast %get3A_791 : vector<1x16xf32> to vector<16xf32>
        %mul3A_793 = arith.mulf %get3A_792, %gather3A_754 : vector<16xf32>
        %swap3A_794 = arith.index_cast %add3A_758 : i32 to index
        %swap3A_795 = arith.constant 48 : index
        %swap3A_796 = tpu.vector_load %arg11[%swap3A_794, %swap3A_795] {strides = array<i32>} : memref<128x64xf32, #tpu.memory_space<vmem>>, vector<1x16xf32>,
        %swap3A_797 = vector.shape_cast %swap3A_796 : vector<1x16xf32> to vector<16xf32>
        %swap3A_798 = vector.shape_cast %mul3A_793 : vector<16xf32> to vector<1x16xf32>
        tpu.vector_store %arg11[%swap3A_794, %swap3A_795], %swap3A_798 {strides = array<i32>} : memref<128x64xf32, #tpu.memory_space<vmem>>, vector<1x16xf32>,
        %broadcast_in_dim3A_799 = arith.constant 14 : i32
        %broadcast_in_dim3A_800 = vector.broadcast %broadcast_in_dim3A_799 : i32 to vector<16x1xi32>
        %gather3A_801 = vector.shape_cast %broadcast_in_dim3A_800 : vector<16x1xi32> to vector<16xi32>
        %gather3A_802 = tpu.dynamic_gather %get3A_127[%gather3A_801] in [0] : vector<16xf32>, vector<16xi32> -> vector<16xf32>
        %mul3A_803 = arith.constant 16 : i32
        %mul3A_804 = arith.muli %scan3A_122, %mul3A_803 : i32
        %add3A_805 = arith.constant 14 : i32
        %add3A_806 = arith.addi %mul3A_804, %add3A_805 : i32
        %get3A_807 = arith.index_cast %add3A_806 : i32 to index
        %get3A_808 = arith.constant 0 : index
        %get3A_809 = tpu.vector_load %arg11[%get3A_807, %get3A_808] {strides = array<i32>} : memref<128x64xf32, #tpu.memory_space<vmem>>, vector<1x16xf32>,
        %get3A_810 = vector.shape_cast %get3A_809 : vector<1x16xf32> to vector<16xf32>
        %mul3A_811 = arith.mulf %get3A_810, %gather3A_802 : vector<16xf32>
        %swap3A_812 = arith.index_cast %add3A_806 : i32 to index
        %swap3A_813 = arith.constant 0 : index
        %swap3A_814 = tpu.vector_load %arg11[%swap3A_812, %swap3A_813] {strides = array<i32>} : memref<128x64xf32, #tpu.memory_space<vmem>>, vector<1x16xf32>,
        %swap3A_815 = vector.shape_cast %swap3A_814 : vector<1x16xf32> to vector<16xf32>
        %swap3A_816 = vector.shape_cast %mul3A_811 : vector<16xf32> to vector<1x16xf32>
        tpu.vector_store %arg11[%swap3A_812, %swap3A_813], %swap3A_816 {strides = array<i32>} : memref<128x64xf32, #tpu.memory_space<vmem>>, vector<1x16xf32>,
        %get3A_817 = arith.index_cast %add3A_806 : i32 to index
        %get3A_818 = arith.constant 16 : index
        %get3A_819 = tpu.vector_load %arg11[%get3A_817, %get3A_818] {strides = array<i32>} : memref<128x64xf32, #tpu.memory_space<vmem>>, vector<1x16xf32>,
        %get3A_820 = vector.shape_cast %get3A_819 : vector<1x16xf32> to vector<16xf32>
        %mul3A_821 = arith.mulf %get3A_820, %gather3A_802 : vector<16xf32>
        %swap3A_822 = arith.index_cast %add3A_806 : i32 to index
        %swap3A_823 = arith.constant 16 : index
        %swap3A_824 = tpu.vector_load %arg11[%swap3A_822, %swap3A_823] {strides = array<i32>} : memref<128x64xf32, #tpu.memory_space<vmem>>, vector<1x16xf32>,
        %swap3A_825 = vector.shape_cast %swap3A_824 : vector<1x16xf32> to vector<16xf32>
        %swap3A_826 = vector.shape_cast %mul3A_821 : vector<16xf32> to vector<1x16xf32>
        tpu.vector_store %arg11[%swap3A_822, %swap3A_823], %swap3A_826 {strides = array<i32>} : memref<128x64xf32, #tpu.memory_space<vmem>>, vector<1x16xf32>,
        %get3A_827 = arith.index_cast %add3A_806 : i32 to index
        %get3A_828 = arith.constant 32 : index
        %get3A_829 = tpu.vector_load %arg11[%get3A_827, %get3A_828] {strides = array<i32>} : memref<128x64xf32, #tpu.memory_space<vmem>>, vector<1x16xf32>,
        %get3A_830 = vector.shape_cast %get3A_829 : vector<1x16xf32> to vector<16xf32>
        %mul3A_831 = arith.mulf %get3A_830, %gather3A_802 : vector<16xf32>
        %swap3A_832 = arith.index_cast %add3A_806 : i32 to index
        %swap3A_833 = arith.constant 32 : index
        %swap3A_834 = tpu.vector_load %arg11[%swap3A_832, %swap3A_833] {strides = array<i32>} : memref<128x64xf32, #tpu.memory_space<vmem>>, vector<1x16xf32>,
        %swap3A_835 = vector.shape_cast %swap3A_834 : vector<1x16xf32> to vector<16xf32>
        %swap3A_836 = vector.shape_cast %mul3A_831 : vector<16xf32> to vector<1x16xf32>
        tpu.vector_store %arg11[%swap3A_832, %swap3A_833], %swap3A_836 {strides = array<i32>} : memref<128x64xf32, #tpu.memory_space<vmem>>, vector<1x16xf32>,
        %get3A_837 = arith.index_cast %add3A_806 : i32 to index
        %get3A_838 = arith.constant 48 : index
        %get3A_839 = tpu.vector_load %arg11[%get3A_837, %get3A_838] {strides = array<i32>} : memref<128x64xf32, #tpu.memory_space<vmem>>, vector<1x16xf32>,
        %get3A_840 = vector.shape_cast %get3A_839 : vector<1x16xf32> to vector<16xf32>
        %mul3A_841 = arith.mulf %get3A_840, %gather3A_802 : vector<16xf32>
        %swap3A_842 = arith.index_cast %add3A_806 : i32 to index
        %swap3A_843 = arith.constant 48 : index
        %swap3A_844 = tpu.vector_load %arg11[%swap3A_842, %swap3A_843] {strides = array<i32>} : memref<128x64xf32, #tpu.memory_space<vmem>>, vector<1x16xf32>,
        %swap3A_845 = vector.shape_cast %swap3A_844 : vector<1x16xf32> to vector<16xf32>
        %swap3A_846 = vector.shape_cast %mul3A_841 : vector<16xf32> to vector<1x16xf32>
        tpu.vector_store %arg11[%swap3A_842, %swap3A_843], %swap3A_846 {strides = array<i32>} : memref<128x64xf32, #tpu.memory_space<vmem>>, vector<1x16xf32>,
        %broadcast_in_dim3A_847 = arith.constant 15 : i32
        %broadcast_in_dim3A_848 = vector.broadcast %broadcast_in_dim3A_847 : i32 to vector<16x1xi32>
        %gather3A_849 = vector.shape_cast %broadcast_in_dim3A_848 : vector<16x1xi32> to vector<16xi32>
        %gather3A_850 = tpu.dynamic_gather %get3A_127[%gather3A_849] in [0] : vector<16xf32>, vector<16xi32> -> vector<16xf32>
        %mul3A_851 = arith.constant 16 : i32
        %mul3A_852 = arith.muli %scan3A_122, %mul3A_851 : i32
        %add3A_853 = arith.constant 15 : i32
        %add3A_854 = arith.addi %mul3A_852, %add3A_853 : i32
        %get3A_855 = arith.index_cast %add3A_854 : i32 to index
        %get3A_856 = arith.constant 0 : index
        %get3A_857 = tpu.vector_load %arg11[%get3A_855, %get3A_856] {strides = array<i32>} : memref<128x64xf32, #tpu.memory_space<vmem>>, vector<1x16xf32>,
        %get3A_858 = vector.shape_cast %get3A_857 : vector<1x16xf32> to vector<16xf32>
        %mul3A_859 = arith.mulf %get3A_858, %gather3A_850 : vector<16xf32>
        %swap3A_860 = arith.index_cast %add3A_854 : i32 to index
        %swap3A_861 = arith.constant 0 : index
        %swap3A_862 = tpu.vector_load %arg11[%swap3A_860, %swap3A_861] {strides = array<i32>} : memref<128x64xf32, #tpu.memory_space<vmem>>, vector<1x16xf32>,
        %swap3A_863 = vector.shape_cast %swap3A_862 : vector<1x16xf32> to vector<16xf32>
        %swap3A_864 = vector.shape_cast %mul3A_859 : vector<16xf32> to vector<1x16xf32>
        tpu.vector_store %arg11[%swap3A_860, %swap3A_861], %swap3A_864 {strides = array<i32>} : memref<128x64xf32, #tpu.memory_space<vmem>>, vector<1x16xf32>,
        %get3A_865 = arith.index_cast %add3A_854 : i32 to index
        %get3A_866 = arith.constant 16 : index
        %get3A_867 = tpu.vector_load %arg11[%get3A_865, %get3A_866] {strides = array<i32>} : memref<128x64xf32, #tpu.memory_space<vmem>>, vector<1x16xf32>,
        %get3A_868 = vector.shape_cast %get3A_867 : vector<1x16xf32> to vector<16xf32>
        %mul3A_869 = arith.mulf %get3A_868, %gather3A_850 : vector<16xf32>
        %swap3A_870 = arith.index_cast %add3A_854 : i32 to index
        %swap3A_871 = arith.constant 16 : index
        %swap3A_872 = tpu.vector_load %arg11[%swap3A_870, %swap3A_871] {strides = array<i32>} : memref<128x64xf32, #tpu.memory_space<vmem>>, vector<1x16xf32>,
        %swap3A_873 = vector.shape_cast %swap3A_872 : vector<1x16xf32> to vector<16xf32>
        %swap3A_874 = vector.shape_cast %mul3A_869 : vector<16xf32> to vector<1x16xf32>
        tpu.vector_store %arg11[%swap3A_870, %swap3A_871], %swap3A_874 {strides = array<i32>} : memref<128x64xf32, #tpu.memory_space<vmem>>, vector<1x16xf32>,
        %get3A_875 = arith.index_cast %add3A_854 : i32 to index
        %get3A_876 = arith.constant 32 : index
        %get3A_877 = tpu.vector_load %arg11[%get3A_875, %get3A_876] {strides = array<i32>} : memref<128x64xf32, #tpu.memory_space<vmem>>, vector<1x16xf32>,
        %get3A_878 = vector.shape_cast %get3A_877 : vector<1x16xf32> to vector<16xf32>
        %mul3A_879 = arith.mulf %get3A_878, %gather3A_850 : vector<16xf32>
        %swap3A_880 = arith.index_cast %add3A_854 : i32 to index
        %swap3A_881 = arith.constant 32 : index
        %swap3A_882 = tpu.vector_load %arg11[%swap3A_880, %swap3A_881] {strides = array<i32>} : memref<128x64xf32, #tpu.memory_space<vmem>>, vector<1x16xf32>,
        %swap3A_883 = vector.shape_cast %swap3A_882 : vector<1x16xf32> to vector<16xf32>
        %swap3A_884 = vector.shape_cast %mul3A_879 : vector<16xf32> to vector<1x16xf32>
        tpu.vector_store %arg11[%swap3A_880, %swap3A_881], %swap3A_884 {strides = array<i32>} : memref<128x64xf32, #tpu.memory_space<vmem>>, vector<1x16xf32>,
        %get3A_885 = arith.index_cast %add3A_854 : i32 to index
        %get3A_886 = arith.constant 48 : index
        %get3A_887 = tpu.vector_load %arg11[%get3A_885, %get3A_886] {strides = array<i32>} : memref<128x64xf32, #tpu.memory_space<vmem>>, vector<1x16xf32>,
        %get3A_888 = vector.shape_cast %get3A_887 : vector<1x16xf32> to vector<16xf32>
        %mul3A_889 = arith.mulf %get3A_888, %gather3A_850 : vector<16xf32>
        %swap3A_890 = arith.index_cast %add3A_854 : i32 to index
        %swap3A_891 = arith.constant 48 : index
        %swap3A_892 = tpu.vector_load %arg11[%swap3A_890, %swap3A_891] {strides = array<i32>} : memref<128x64xf32, #tpu.memory_space<vmem>>, vector<1x16xf32>,
        %swap3A_893 = vector.shape_cast %swap3A_892 : vector<1x16xf32> to vector<16xf32>
        %swap3A_894 = vector.shape_cast %mul3A_889 : vector<16xf32> to vector<1x16xf32>
        tpu.vector_store %arg11[%swap3A_890, %swap3A_891], %swap3A_894 {strides = array<i32>} : memref<128x64xf32, #tpu.memory_space<vmem>>, vector<1x16xf32>,
      }
      %scan3A_121 = arith.constant 8 : i32
      "tpu.region"() ({
        %run_scoped3A = tpu.sem_alloc : memref<!tpu.dma_semaphore, #tpu.memory_space<semaphore_mem>>
        %dma_start3A_122 = arith.constant 0 : i32
        %dma_start3A_123 = arith.constant 0 : i32
        %dma_start3A_124 = tpu.memref_slice %arg12[%dma_start3A_122, %dma_start3A_123] : memref<10240x64xf32, #tpu.memory_space<vmem_shared>> -> memref<10240x64xf32, #tpu.memory_space<vmem_shared>>
        tpu.enqueue_indirect_dma source(%arg11 : memref<128x64xf32, #tpu.memory_space<vmem>>) target(%dma_start3A_124 : memref<10240x64xf32, #tpu.memory_space<vmem_shared>>) offsets(%arg9 : memref<128xi32, #tpu.memory_space<vmem>>) semaphore(%run_scoped3A : memref<!tpu.dma_semaphore, #tpu.memory_space<semaphore_mem>>) {add = true}
        %dma_wait3A_125 = arith.constant 0 : i32
        %dma_wait3A_126 = arith.constant 0 : i32
        %dma_wait3A_127 = tpu.memref_slice %arg12[%dma_wait3A_125, %dma_wait3A_126] : memref<10240x64xf32, #tpu.memory_space<vmem_shared>> -> memref<10240x64xf32, #tpu.memory_space<vmem_shared>>
        tpu.wait_indirect_dma semaphore(%run_scoped3A : memref<!tpu.dma_semaphore, #tpu.memory_space<semaphore_mem>>) src(%arg11 : memref<128x64xf32, #tpu.memory_space<vmem>>) dst(%dma_wait3A_127 : memref<10240x64xf32, #tpu.memory_space<vmem_shared>>)
        tpu.yield
      }) : () -> ()
    }
    %scan3A_25 = arith.constant 157 : i32
    %barrier3A_26 = arith.constant 0 : index
    tpu.barrier barrier_id(%barrier3A_26)
    %mul3A_27 = arith.constant 64 : i32
    %mul3A_28 = arith.muli %arg0, %mul3A_27 : i32
    "tpu.region"() ({
      %run_scoped3A = tpu.sem_alloc : memref<!tpu.dma_semaphore, #tpu.memory_space<semaphore_mem>>
      %dma_start3A = tpu.memref_slice %arg6[%mul3A_28] : memref<128xf32, #tpu.memory_space<hbm>> -> memref<64xf32, #tpu.memory_space<hbm>>
      %dma_start3A_38 = tpu.memref_slice %arg6[%mul3A_28] : memref<128xf32, #tpu.memory_space<hbm>> -> memref<64xf32, #tpu.memory_space<hbm>>
      tpu.enqueue_dma source(%dma_start3A_38 : memref<64xf32, #tpu.memory_space<hbm>>) target(%arg15 : memref<64xf32, #tpu.memory_space<vmem>>) target_semaphore(%run_scoped3A : memref<!tpu.dma_semaphore, #tpu.memory_space<semaphore_mem>>)
      %dma_wait3A = tpu.memref_slice %arg6[%mul3A_28] : memref<128xf32, #tpu.memory_space<hbm>> -> memref<64xf32, #tpu.memory_space<hbm>>
      %dma_wait3A_39 = tpu.memref_slice %arg6[%mul3A_28] : memref<128xf32, #tpu.memory_space<hbm>> -> memref<64xf32, #tpu.memory_space<hbm>>
      tpu.wait_dma2 semaphore(%run_scoped3A : memref<!tpu.dma_semaphore, #tpu.memory_space<semaphore_mem>>) src(%dma_wait3A_39 : memref<64xf32, #tpu.memory_space<hbm>>) dst(%arg15 : memref<64xf32, #tpu.memory_space<vmem>>)
      tpu.yield
    }) : () -> ()
    "tpu.region"() ({
      %run_scoped3A = tpu.sem_alloc : memref<!tpu.dma_semaphore, #tpu.memory_space<semaphore_mem>>
      %dma_start3A = arith.constant 0 : i32
      %dma_start3A_38 = tpu.memref_slice %arg12[%mul3A_2, %dma_start3A] : memref<10240x64xf32, #tpu.memory_space<vmem_shared>> -> memref<640x64xf32, #tpu.memory_space<vmem_shared>>
      %dma_start3A_39 = arith.constant 0 : i32
      %dma_start3A_40 = tpu.memref_slice %arg12[%mul3A_2, %dma_start3A_39] : memref<10240x64xf32, #tpu.memory_space<vmem_shared>> -> memref<640x64xf32, #tpu.memory_space<vmem_shared>>
      tpu.enqueue_dma source(%dma_start3A_40 : memref<640x64xf32, #tpu.memory_space<vmem_shared>>) target(%arg14 : memref<640x64xf32, #tpu.memory_space<vmem>>) target_semaphore(%run_scoped3A : memref<!tpu.dma_semaphore, #tpu.memory_space<semaphore_mem>>)
      %dma_wait3A = arith.constant 0 : i32
      %dma_wait3A_41 = tpu.memref_slice %arg12[%mul3A_2, %dma_wait3A] : memref<10240x64xf32, #tpu.memory_space<vmem_shared>> -> memref<640x64xf32, #tpu.memory_space<vmem_shared>>
      %dma_wait3A_42 = arith.constant 0 : i32
      %dma_wait3A_43 = tpu.memref_slice %arg12[%mul3A_2, %dma_wait3A_42] : memref<10240x64xf32, #tpu.memory_space<vmem_shared>> -> memref<640x64xf32, #tpu.memory_space<vmem_shared>>
      tpu.wait_dma2 semaphore(%run_scoped3A : memref<!tpu.dma_semaphore, #tpu.memory_space<semaphore_mem>>) src(%dma_wait3A_43 : memref<640x64xf32, #tpu.memory_space<vmem_shared>>) dst(%arg14 : memref<640x64xf32, #tpu.memory_space<vmem>>)
      tpu.yield
    }) : () -> ()
    %scan3A_29 = arith.constant 0 : i32
    %scan3A_30 = arith.constant 0 : i32
    %scan3A_31 = arith.constant 640 : i32
    %scan3A_32 = arith.addi %scan3A_30, %scan3A_31 : i32
    %scan3A_33 = arith.constant 1 : i32
    scf.for %scan3A_38 = %scan3A_30 to %scan3A_32 step %scan3A_33  : i32 {
      %get3A = arith.constant 0 : index
      %get3A_39 = tpu.vector_load %arg15[%get3A] {strides = array<i32>} : memref<64xf32, #tpu.memory_space<vmem>>, vector<16xf32>,
      %get3A_40 = vector.shape_cast %get3A_39 : vector<16xf32> to vector<16xf32>
      %get3A_41 = arith.index_cast %scan3A_38 : i32 to index
      %get3A_42 = arith.constant 0 : index
      %get3A_43 = tpu.vector_load %arg14[%get3A_41, %get3A_42] {strides = array<i32>} : memref<640x64xf32, #tpu.memory_space<vmem>>, vector<1x16xf32>,
      %get3A_44 = vector.shape_cast %get3A_43 : vector<1x16xf32> to vector<16xf32>
      %mul3A_45 = arith.mulf %get3A_44, %get3A_40 : vector<16xf32>
      %max3A = arith.constant 0.000000e+00 : f32
      %max3A_46 = vector.broadcast %max3A : f32 to vector<16xf32>
      %max3A_47 = arith.maximumf %mul3A_45, %max3A_46 : vector<16xf32>
      %swap3A = arith.index_cast %scan3A_38 : i32 to index
      %swap3A_48 = arith.constant 0 : index
      %swap3A_49 = tpu.vector_load %arg14[%swap3A, %swap3A_48] {strides = array<i32>} : memref<640x64xf32, #tpu.memory_space<vmem>>, vector<1x16xf32>,
      %swap3A_50 = vector.shape_cast %swap3A_49 : vector<1x16xf32> to vector<16xf32>
      %swap3A_51 = vector.shape_cast %max3A_47 : vector<16xf32> to vector<1x16xf32>
      tpu.vector_store %arg14[%swap3A, %swap3A_48], %swap3A_51 {strides = array<i32>} : memref<640x64xf32, #tpu.memory_space<vmem>>, vector<1x16xf32>,
      %get3A_52 = arith.constant 16 : index
      %get3A_53 = tpu.vector_load %arg15[%get3A_52] {strides = array<i32>} : memref<64xf32, #tpu.memory_space<vmem>>, vector<16xf32>,
      %get3A_54 = vector.shape_cast %get3A_53 : vector<16xf32> to vector<16xf32>
      %get3A_55 = arith.index_cast %scan3A_38 : i32 to index
      %get3A_56 = arith.constant 16 : index
      %get3A_57 = tpu.vector_load %arg14[%get3A_55, %get3A_56] {strides = array<i32>} : memref<640x64xf32, #tpu.memory_space<vmem>>, vector<1x16xf32>,
      %get3A_58 = vector.shape_cast %get3A_57 : vector<1x16xf32> to vector<16xf32>
      %mul3A_59 = arith.mulf %get3A_58, %get3A_54 : vector<16xf32>
      %max3A_60 = arith.constant 0.000000e+00 : f32
      %max3A_61 = vector.broadcast %max3A_60 : f32 to vector<16xf32>
      %max3A_62 = arith.maximumf %mul3A_59, %max3A_61 : vector<16xf32>
      %swap3A_63 = arith.index_cast %scan3A_38 : i32 to index
      %swap3A_64 = arith.constant 16 : index
      %swap3A_65 = tpu.vector_load %arg14[%swap3A_63, %swap3A_64] {strides = array<i32>} : memref<640x64xf32, #tpu.memory_space<vmem>>, vector<1x16xf32>,
      %swap3A_66 = vector.shape_cast %swap3A_65 : vector<1x16xf32> to vector<16xf32>
      %swap3A_67 = vector.shape_cast %max3A_62 : vector<16xf32> to vector<1x16xf32>
      tpu.vector_store %arg14[%swap3A_63, %swap3A_64], %swap3A_67 {strides = array<i32>} : memref<640x64xf32, #tpu.memory_space<vmem>>, vector<1x16xf32>,
      %get3A_68 = arith.constant 32 : index
      %get3A_69 = tpu.vector_load %arg15[%get3A_68] {strides = array<i32>} : memref<64xf32, #tpu.memory_space<vmem>>, vector<16xf32>,
      %get3A_70 = vector.shape_cast %get3A_69 : vector<16xf32> to vector<16xf32>
      %get3A_71 = arith.index_cast %scan3A_38 : i32 to index
      %get3A_72 = arith.constant 32 : index
      %get3A_73 = tpu.vector_load %arg14[%get3A_71, %get3A_72] {strides = array<i32>} : memref<640x64xf32, #tpu.memory_space<vmem>>, vector<1x16xf32>,
      %get3A_74 = vector.shape_cast %get3A_73 : vector<1x16xf32> to vector<16xf32>
      %mul3A_75 = arith.mulf %get3A_74, %get3A_70 : vector<16xf32>
      %max3A_76 = arith.constant 0.000000e+00 : f32
      %max3A_77 = vector.broadcast %max3A_76 : f32 to vector<16xf32>
      %max3A_78 = arith.maximumf %mul3A_75, %max3A_77 : vector<16xf32>
      %swap3A_79 = arith.index_cast %scan3A_38 : i32 to index
      %swap3A_80 = arith.constant 32 : index
      %swap3A_81 = tpu.vector_load %arg14[%swap3A_79, %swap3A_80] {strides = array<i32>} : memref<640x64xf32, #tpu.memory_space<vmem>>, vector<1x16xf32>,
      %swap3A_82 = vector.shape_cast %swap3A_81 : vector<1x16xf32> to vector<16xf32>
      %swap3A_83 = vector.shape_cast %max3A_78 : vector<16xf32> to vector<1x16xf32>
      tpu.vector_store %arg14[%swap3A_79, %swap3A_80], %swap3A_83 {strides = array<i32>} : memref<640x64xf32, #tpu.memory_space<vmem>>, vector<1x16xf32>,
      %get3A_84 = arith.constant 48 : index
      %get3A_85 = tpu.vector_load %arg15[%get3A_84] {strides = array<i32>} : memref<64xf32, #tpu.memory_space<vmem>>, vector<16xf32>,
      %get3A_86 = vector.shape_cast %get3A_85 : vector<16xf32> to vector<16xf32>
      %get3A_87 = arith.index_cast %scan3A_38 : i32 to index
      %get3A_88 = arith.constant 48 : index
      %get3A_89 = tpu.vector_load %arg14[%get3A_87, %get3A_88] {strides = array<i32>} : memref<640x64xf32, #tpu.memory_space<vmem>>, vector<1x16xf32>,
      %get3A_90 = vector.shape_cast %get3A_89 : vector<1x16xf32> to vector<16xf32>
      %mul3A_91 = arith.mulf %get3A_90, %get3A_86 : vector<16xf32>
      %max3A_92 = arith.constant 0.000000e+00 : f32
      %max3A_93 = vector.broadcast %max3A_92 : f32 to vector<16xf32>
      %max3A_94 = arith.maximumf %mul3A_91, %max3A_93 : vector<16xf32>
      %swap3A_95 = arith.index_cast %scan3A_38 : i32 to index
      %swap3A_96 = arith.constant 48 : index
      %swap3A_97 = tpu.vector_load %arg14[%swap3A_95, %swap3A_96] {strides = array<i32>} : memref<640x64xf32, #tpu.memory_space<vmem>>, vector<1x16xf32>,
      %swap3A_98 = vector.shape_cast %swap3A_97 : vector<1x16xf32> to vector<16xf32>
      %swap3A_99 = vector.shape_cast %max3A_94 : vector<16xf32> to vector<1x16xf32>
      tpu.vector_store %arg14[%swap3A_95, %swap3A_96], %swap3A_99 {strides = array<i32>} : memref<640x64xf32, #tpu.memory_space<vmem>>, vector<1x16xf32>,
    }
    %scan3A_34 = arith.constant 640 : i32
    %mul3A_35 = arith.constant 10240 : i32
    %mul3A_36 = arith.muli %arg0, %mul3A_35 : i32
    %add3A_37 = arith.addi %mul3A_36, %mul3A_2 : i32
    "tpu.region"() ({
      %run_scoped3A = tpu.sem_alloc : memref<!tpu.dma_semaphore, #tpu.memory_space<semaphore_mem>>
      %dma_start3A = arith.constant 0 : i32
      %dma_start3A_38 = tpu.memref_slice %arg7[%add3A_37, %dma_start3A] : memref<20480x64xf32, #tpu.memory_space<hbm>> -> memref<640x64xf32, #tpu.memory_space<hbm>>
      %dma_start3A_39 = arith.constant 0 : i32
      %dma_start3A_40 = tpu.memref_slice %arg7[%add3A_37, %dma_start3A_39] : memref<20480x64xf32, #tpu.memory_space<hbm>> -> memref<640x64xf32, #tpu.memory_space<hbm>>
      tpu.enqueue_dma source(%arg14 : memref<640x64xf32, #tpu.memory_space<vmem>>) target(%dma_start3A_40 : memref<640x64xf32, #tpu.memory_space<hbm>>) target_semaphore(%run_scoped3A : memref<!tpu.dma_semaphore, #tpu.memory_space<semaphore_mem>>)
      %dma_wait3A = arith.constant 0 : i32
      %dma_wait3A_41 = tpu.memref_slice %arg7[%add3A_37, %dma_wait3A] : memref<20480x64xf32, #tpu.memory_space<hbm>> -> memref<640x64xf32, #tpu.memory_space<hbm>>
      %dma_wait3A_42 = arith.constant 0 : i32
      %dma_wait3A_43 = tpu.memref_slice %arg7[%add3A_37, %dma_wait3A_42] : memref<20480x64xf32, #tpu.memory_space<hbm>> -> memref<640x64xf32, #tpu.memory_space<hbm>>
      tpu.wait_dma2 semaphore(%run_scoped3A : memref<!tpu.dma_semaphore, #tpu.memory_space<semaphore_mem>>) src(%arg14 : memref<640x64xf32, #tpu.memory_space<vmem>>) dst(%dma_wait3A_43 : memref<640x64xf32, #tpu.memory_space<hbm>>)
      tpu.yield
    }) : () -> ()
    return
  }
}

</mosaic_0001>

<sc_bundles>
// kernel: kernel.3.cloned.1.call-start
scs
__scs_entry_jumppad:
0x0: {  	(pc) =	sbr.rel $0x88, $3  }
0x1: {  	(tag) =	ssettag $0x0;
	lr =	simm.s32 $0x1  }
0x2: {  	[smem:$0x3F9D] =	sst lr;
	_ =	strace $0xD0000000  }
0x3: {  	_ = 	snop  }
0x4: {  	_ = 	snop  }
0x5: {  	_ = 	snop  }
0x6: {  	_ = 	snop  }
0x7: {  	_ = 	snop  }
__scs_overlays_trampoline_lowered:
0x8: {  	[smem:$0x3FAC] =	sst s0  }
0x9: {  	[smem:$0x3FAD] =	sst s1  }
0xa: {  	[smem:$0x3FAE] =	sst s2  }
0xb: {  	[smem:$0x3FAF] =	sst s3  }
0xc: {  	[smem:$0x3FB0] =	sst s4  }
0xd: {  	[smem:$0x3FB1] =	sst s5  }
0xe: {  	[smem:$0x3FB2] =	sst s6  }
0xf: {  	[smem:$0x3FB3] =	sst s7  }
0x10: {  	[smem:$0x3FB4] =	sst s8  }
0x11: {  	[smem:$0x3FB5] =	sst s9;
	s0 =	simm.s32 @!p0 $0x0  }
0x12: {  	s1 =	sld [smem:$0x3F9B];
	s0 =	simm.s32 @p0 $0x1  }
0x13: {  	[smem:$0x3FB6] =	sst s0;
	s0 =	simm.s32 @!p1 $0x0  }
0x14: {  	s2 =	sld [smem:$0x3F9A];
	s0 =	simm.s32 @p1 $0x1  }
0x15: {  	[smem:$0x3FB7] =	sst s0;
	s0 =	simm.s32 @!p2 $0x0  }
0x16: {  	s3 =	sld [smem:$0x3FDB];
	s0 =	simm.s32 @p2 $0x1  }
0x17: {  	s4 =	simm.s32 $0x1BF5;
	[smem:$0x3FB9] =	sst s0  }
0x18: {  	s0 =	sld [smem:$0x3F9C];
	_ =	swait.ge [sflag:s4], $0x0  }
0x19: {  	s7 =	sld [smem:$0x3F9D]  }
0x1a: {  	s8 =	sadd.s32 $0xFFFFE003, lr  }
0x1b: {  	s9 =	sadd.s32 $0xFFFFFEF7, lr;
	s5 =	simm.s32 $0xFFFFFFFF;
	p2 =	slt.u32 s8, $0xFFFFF086  }
0x1c: {  	p1 =	slt.u32 s9, $0xF7A;
	s5 =	simm.s32 @!p2 $0x0  }
0x1d: {  	s5 =	simm.s32 @p1 $0x1;
	p0 =	seq.s32 s7, s2  }
0x1e: {  	s7 =	smul.u32 @!p0 $0xF7A, s2;
	p2 =	seq.s32 @!p0 s5, $0x0  }
0x1f: {  	s9 =	smul.u32 $0xF7A, s1;
	s8 =	simm.s32 @!p0 $0x1BF5;
	p2 =	por !p2, p0  }
0x20: {  	[sflag:s8] =	ssyncset.s32 @!p0 $0xFFFFF086;
	s6 =	sadd.s32 @!p0 s3, s7;
	s7 =	simm.s32 @!p0 $0x108  }
0x21: {  	s3 =	sadd.s32 s3, s9;
	s6 =	sadd.s32 @!p0 $0x88, s6;
	s7 =	simm.s32 @p2 $0x1082  }
0x22: {  	[simem:s7], [sflag:s8] =	dma.local @!p0 [hbm:s6], $0xF7A  }
0x23: {  	s9 =	sor.u32 $0xD0000000, s2;
	s6 =	simm.s32 $0x108;
	_ =	swait.ge @!p0 [sflag:s8], $0x0  }
0x24: {  	s3 =	sadd.s32 $0x88, s3;
	s6 =	simm.s32 @!p1 $0x1082;
	[sflag:s4] =	ssyncset.s32 $0xFFFFF086  }
0x25: {  	[simem:s6], [sflag:s4] =	dma.local [hbm:s3], $0xF7A  }
0x26: {  	[smem:$0x3F9D] =	sst s1;
	(tag) =	ssettag s2;
	_ =	strace s9  }
0x27: {  	s1 =	sld [smem:$0x3FAD]  }
0x28: {  	s2 =	sld [smem:$0x3FAE]  }
0x29: {  	s4 =	sld [smem:$0x3FB0]  }
0x2a: {  	p0 =	seq.s32 s5, $0x0;
	s5 =	sld [smem:$0x3FB1]  }
0x2b: {  	s6 =	sld [smem:$0x3FB2]  }
0x2c: {  	s7 =	sld [smem:$0x3FB3]  }
0x2d: {  	s3 =	simm.s32 $0x108;
	s8 =	sld [smem:$0x3FB4]  }
0x2e: {  	s3 =	simm.s32 @!p0 $0x1082;
	s9 =	sld [smem:$0x3FB5]  }
0x2f: {  	lr =	sadd.s32 s0, s3;
	s0 =	sld [smem:$0x3FAC]  }
0x30: {  	s3 =	sld [smem:$0x3FAF]  }
0x31: {  	[smem:$0x3FB8] =	sst s10  }
0x32: {  	s10 =	sld [smem:$0x3FB6];
	_ =	sdelay $0x3  }
0x33: {  	p0 =	seq.s32 s10, $0x1;
	s10 =	sld [smem:$0x3FB8];
	_ =	sdelay $0x3  }
0x34: {  	[smem:$0x3FB8] =	sst s10  }
0x35: {  	s10 =	sld [smem:$0x3FB7];
	_ =	sdelay $0x3  }
0x36: {  	p1 =	seq.s32 s10, $0x1;
	s10 =	sld [smem:$0x3FB8];
	_ =	sdelay $0x3  }
0x37: {  	[smem:$0x3FB8] =	sst s10  }
0x38: {  	s10 =	sld [smem:$0x3FB9]  }
0x39: {  	_ = 	snop;
	(pc) =	sbr.ind lr, $3  }
0x3a: {  	_ = 	snop  }
0x3b: {  	_ = 	snop  }
0x3c: {  	p2 =	seq.s32 s10, $0x1;
	s10 =	sld [smem:$0x3FB8]  }
0x3d: {  	_ =	shalt  }
0x3e: {  	_ =	shalt  }
0x3f: {  	_ =	shalt  }
0x40: {  	_ =	shalt  }
0x41: {  	_ =	shalt  }
0x42: {  	_ =	shalt  }
0x43: {  	_ =	shalt  }
0x44: {  	_ =	shalt  }
0x45: {  	_ =	shalt  }
0x46: {  	_ =	shalt  }
0x47: {  	_ =	shalt  }
0x48: {  	_ =	shalt  }
0x49: {  	_ =	shalt  }
0x4a: {  	_ =	shalt  }
0x4b: {  	_ =	shalt  }
0x4c: {  	_ =	shalt  }
0x4d: {  	_ =	shalt  }
0x4e: {  	_ =	shalt  }
0x4f: {  	_ =	shalt  }
0x50: {  	_ =	shalt  }
0x51: {  	_ =	shalt  }
0x52: {  	_ =	shalt  }
0x53: {  	_ =	shalt  }
0x54: {  	_ =	shalt  }
0x55: {  	_ =	shalt  }
0x56: {  	_ =	shalt  }
0x57: {  	_ =	shalt  }
0x58: {  	_ =	shalt  }
0x59: {  	_ =	shalt  }
0x5a: {  	_ =	shalt  }
0x5b: {  	_ =	shalt  }
0x5c: {  	_ =	shalt  }
0x5d: {  	_ =	shalt  }
0x5e: {  	_ =	shalt  }
0x5f: {  	_ =	shalt  }
0x60: {  	_ =	shalt  }
0x61: {  	_ =	shalt  }
0x62: {  	_ =	shalt  }
0x63: {  	_ =	shalt  }
0x64: {  	_ =	shalt  }
0x65: {  	_ =	shalt  }
0x66: {  	_ =	shalt  }
0x67: {  	_ =	shalt  }
0x68: {  	_ =	shalt  }
0x69: {  	_ =	shalt  }
0x6a: {  	_ =	shalt  }
0x6b: {  	_ =	shalt  }
0x6c: {  	_ =	shalt  }
0x6d: {  	_ =	shalt  }
0x6e: {  	_ =	shalt  }
0x6f: {  	_ =	shalt  }
0x70: {  	_ =	shalt  }
0x71: {  	_ =	shalt  }
0x72: {  	_ =	shalt  }
0x73: {  	_ =	shalt  }
0x74: {  	_ =	shalt  }
0x75: {  	_ =	shalt  }
0x76: {  	_ =	shalt  }
0x77: {  	_ =	shalt  }
0x78: {  	_ =	shalt  }
0x79: {  	_ =	shalt  }
0x7a: {  	_ =	shalt  }
0x7b: {  	_ =	shalt  }
0x7c: {  	_ =	shalt  }
0x7d: {  	_ =	shalt  }
0x7e: {  	_ =	shalt  }
0x7f: {  	_ =	shalt  }
0x80: {  	_ =	shalt  }
0x81: {  	_ =	shalt  }
0x82: {  	_ =	shalt  }
0x83: {  	_ =	shalt  }
0x84: {  	_ =	shalt  }
0x85: {  	_ =	shalt  }
0x86: {  	_ =	shalt  }
0x87: {  	_ =	shalt  }
.Lfunc_end0:
.L_simem_size_0:
called_computation_lowered:
.L_overlay_start_0:
0x88: {  	s2 =	sld [smem:$0x3FD9]  }
0x89: {  	s3 =	sld [smem:$0x3FFE];
	_ =	sdelay $0x1  }
0x8a: {  	s1 =	srdreg.scid  }
0x8b: {  	s0 =	sand.u32 $0x1, s1  }
0x8c: {  	s17 =	sshll.u32 s0, $0xA;
	s2 =	sadd.s32 s3, s2  }
0x8d: {  	s2 =	sadd.s32 s2, s17  }
0x8e: {  	[smem:$0x3FC4] =	sst s2  }
0x8f: {  	_ = 	snop  }
0x90: {  	s2 =	sld [smem:$0x3FC6]  }
0x91: {  	s18 =	sld [smem:$0x3FD0];
	(tm) =	ssettm $0x1  }
0x92: {  	s4 =	sld [smem:$0x3FFB];
	_ =	sdelay $0x3  }
0x93: {  	_ =	strace s4  }
0x94: {  	s4 =	sld [smem:$0x3FFC];
	_ =	sdelay $0x3  }
0x95: {  	_ =	strace s4  }
0x96: {  	s4 =	sld [smem:$0x3FFD];
	_ =	sdelay $0x3  }
0x97: {  	_ =	strace s4  }
0x98: {  	_ =	strace $0x8FFFFFFF  }
0x99: {  	s19 =	sld [smem:$0x3FDB];
	_ =	sdelay $0x1  }
0x9a: {  	s5 =	simm.s32 $_scs_section_size  }
0x9b: {  	s6 =	simm.s32 $_size__tile_overlayer_lowered;
	s7 =	simm.s32 $_tile_overlayer_lowered  }
0x9c: {  	s22 =	simm.s32 $0x1BFF;
	s21 =	sshll.u32 s7, $0x1;
	s4 =	sadd.s32 s5, s19  }
0x9d: {  	s8 =	simm.s32 $0x0;
	s20 =	sshll.u32 s6, $0x1;
	s6 =	sadd.s32 s21, s4  }
0x9e: {  	[timem:s8], [sflag:s22] =	dma.local [hbm:s6], s20  }
0x9f: {  	_ =	swait.ge [sflag:s22], s20  }
0xa0: {  	s5 =	ssub.s32 $0x0, s20;
	[sflag:s22] =	ssyncset.done $0x0  }
0xa1: {  	[sflag:s22] =	ssyncadd.s32 s5;
	_ =	sdelay $0x1  }
0xa2: {  	s23 =	simm.s32 $0x1B8B  }
0xa3: {  	_ =	swait.ge [sflag:s23], $0x1  }
0xa4: {  	[sflag:s23] =	ssyncset.done $0x0  }
0xa5: {  	s25 =	simm.s32 $0x1B8E;
	s24 =	sld [smem:$0x3FFE];
	[sflag:s23] =	ssyncadd.s32 $0xFFFFFFFF  }
0xa6: {  	s26 =	simm.s32 $execute0_lowered;
	[smem:$0x3FD2] =	sst s25  }
0xa7: {  	s6 =	sshll.u32 s26, $0x1;
	_ =	strace $0x80000046;
	[dreg:$0x1] =	wrdreg $0xFFFFFFFF  }
0xa8: {  	s28 =	simm.s32 $_size_execute0_lowered;
	s4 =	sadd.s32 s4, s6;
	[dreg:$0x0] =	wrdreg $0x0  }
0xa9: {  	s6 =	sshll.u32 s28, $0x1;
	[dreg:$0x2] =	wrdreg s4  }
0xaa: {  	[dreg:$0x3] =	wrdreg s6  }
0xab: {  	[dreg:$0x4] =	wrdreg $0xC0  }
0xac: {  	_ =	task [dreg:s8], $0x5FFFF  }
0xad: {  	[dreg:$0x1] =	wrdreg $0xFFFFFFFF  }
0xae: {  	[dreg:$0x0] =	wrdreg $0x60  }
0xaf: {  	[dreg:$0x2] =	wrdreg s18  }
0xb0: {  	[dreg:$0x3] =	wrdreg s24  }
0xb1: {  	[dreg:$0x4] =	wrdreg s2  }
0xb2: {  	[dreg:$0x5] =	wrdreg $0x21800  }
0xb3: {  	[dreg:$0x6] =	wrdreg $0x9  }
0xb4: {  	_ =	task.clear_ibuf [dreg:s8], $0x7FFFF;
	_ =	strace $0x90000046  }
0xb5: {  	s29 =	simm.s32 $0x9;
	_ =	strace $0x80000048  }
0xb6: {  	_ =	swait.ge [sflag:s29], $0x1  }
0xb7: {  	[sflag:s29] =	ssyncadd.s32 $0xFFFFFFFF  }
0xb8: {  	_ =	strace $0x90000048  }
0xb9: {  	_ =	sfence  }
0xba: {  	s30 =	sld [smem:$0x0];
	_ =	sdelay $0x2  }
0xbb: {  	s31 =	sshll.u32 s1, $0xD;
	s1 =	sshrl.u32 s1, $0x2  }
0xbc: {  	s3 =	sand.u32 $0x4000, s31;
	s1 =	sadd.s32 s1, s30  }
0xbd: {  	s0 =	sor.u32 s3, s0;
	s1 =	sshll.u32 s1, $0x11  }
0xbe: {  	s0 =	sor.u32 s1, s0  }
0xbf: {  	s0 =	sadd.s32 $0x8F2B, s0  }
0xc0: {  	[sflag:s0] =	ssyncadd.remote.s32 $0x1  }
0xc1: {  	_ =	sfence.sel $0xFFFF  }
0xc2: {  	[dreg:$0x0] =	wrdreg $0xFFFFFFFF;
	(pc) =	sbr.abs _section_cstart, $3  }
0xc3: {  	[dreg:$0x1] =	wrdreg $0xFFFFFFFF  }
0xc4: {  	_ =	task.clear_ibuf [dreg:s8], $0x2FFFF;
	_ =	strace $0x9FFFFFFF  }
0xc5: {  	(tm) =	ssettm $0x7FFFFFFF  }
tec
execute0_lowered:
.L_overlay_start_1:
0x0: {  	(tag) =	ssettag $0x1  }
0x1: {  	s1 =	rddreg [dreg:$0x0]  }
0x2: {  	s2 =	rddreg [dreg:$0x1]  }
0x3: {  	s14 =	rddreg [dreg:$0x2]  }
0x4: {  	s4 =	rddreg [dreg:$0x3]  }
0x5: {  	s0 =	rddreg [dreg:$0x4];
	s6 =	srdreg.scid  }
0x6: {  	s3 =	stileid.u32;
	s5 =	simm.s32 $0x0;
	s18 =	simm.s32 $0x2  }
0x7: {  	s19 =	simm.s32 $0x80;
	s20 =	simm.s32 $0x100;
	s21 =	simm.s32 $0x180  }
0x8: {  	s22 =	simm.s32 $0x1;
	s23 =	simm.s32 $0x18180;
	s24 =	simm.s32 $0xE180  }
0x9: {  	s25 =	simm.s32 $0x0;
	s15 =	sand.u32 $0x1, s6;
	s8 =	smul.u32 $0x1400, s3  }
0xa: {  	[smem:$0x7FF] =	sst s5;
	s6 =	sadd.s32 $0x9E00, s2;
	s10 =	smul.u32 $0x28000, s3  }
0xb: {  	s7 =	sadd.s32 $0x13C00, s2;
	s9 =	smul.u32 $0x14000, s15;
	_ =	strace $0x80000047  }
0xc: {  	v1 =	vimm.f32 $0.0e+00;
	v2 =	vimm.s32 $0x0;
	v3 =	vimm.s32 $0x1;
	s31 =	ssub.s32 $0x2, s15;
	s12 =	smul.u32 $0x2710, s15;
	s15 =	sshll.u32 s15, $0x3  }
0xd: {  	v4 =	vimm.s32 $0x2;
	v5 =	vimm.s32 $0x3;
	v6 =	vimm.s32 $0x4;
	s11 =	sshrl.u32 s31, $0x1;
	s10 =	sshrl.u32 s10, $0x2;
	s8 =	sadd.s32 s8, s9  }
0xe: {  	v7 =	vimm.s32 $0x5;
	v8 =	vimm.s32 $0x6;
	v9 =	vimm.s32 $0x7;
	s14 =	sadd.s32 s14, s15;
	s16 =	sadd.s32 s8, s2;
	s8 =	sadd.s32 s10, s4  }
0xf: {  	v10 =	vimm.s32 $0x8;
	v11 =	vimm.s32 $0x9;
	v12 =	vimm.s32 $0xA;
	s17 =	ssub.s32 s31, s11;
	s9 =	smul.u32 $0x4E80, s3;
	s10 =	sadd.s32 $0x2000, s8  }
0x10: {  	v13 =	vimm.s32 $0xB;
	v14 =	vimm.s32 $0xC;
	v0 =	vmov s12;
	s11 =	sadd.s32 $0x4000, s8;
	s12 =	sadd.s32 $0x6000, s8;
	s13 =	sadd.s32 $0x8000, s8  }
0x11: {  	v15 =	vimm.s32 $0xD;
	v16 =	vimm.s32 $0xE;
	v17 =	vimm.s32 $0xF;
	s15 =	sadd.s32 $0x1DA00, s16;
	s16 =	smax.u32 s17, $0x1;
	s17 =	simm.s32 $0xC180  }
.LBB2_1:
0x12: {  	s28 =	simm.s32 $0x100;
	s26 =	simm.s32 $0x0  }
.LBB2_2:
0x13: {  	p0 =	sne.s32 s28, $0x7F00;
	[tilespmem:s26+$0xC1B0] =	vst v1;
	s29 =	smov.u32 s28;
	s28 =	sadd.s32 $0x100, s28  }
.Ltmp0:
0x14: {  	[tilespmem:s26+$0xC1A0] =	vst v1;
	(pc) =	sbr.rel @p0 .LBB2_2-.Ltmp0, $3  }
0x15: {  	[tilespmem:s26+$0xC180] =	vst v1  }
0x16: {  	[tilespmem:s26+$0xC190] =	vst v1;
	_ =	sdelay $0x1  }
0x17: {  	s26 =	sshra.s32 s29, $0x2  }
0x18: {  	[tilespmem:s26+$0xC1B0] =	vst v1  }
0x19: {  	[tilespmem:s26+$0xC1A0] =	vst v1  }
0x1a: {  	[tilespmem:s26+$0xC180] =	vst v1  }
0x1b: {  	[tilespmem:s26+$0xC190] =	vst v1  }
0x1c: {  	[spmem:s8] =	stream.linear.scatter [tilespmem:s17], [sflag:$0x2], $0x2000, $0x38;
	[tilespmem:$0x181C0] =	vst v63  }
0x1d: {  	_ =	swait.ge [sflag:s18], $0x2000  }
0x1e: {  	[sflag:s18] =	ssyncset.done $0x0  }
0x1f: {  	[sflag:s18] =	ssyncadd.s32 $0xFFFFE000  }
0x20: {  	[spmem:s10] =	stream.linear.scatter [tilespmem:s17], [sflag:$0x2], $0x2000, $0x38;
	[tilespmem:$0x181C0] =	vst v63  }
0x21: {  	_ =	swait.ge [sflag:s18], $0x2000  }
0x22: {  	[sflag:s18] =	ssyncset.done $0x0  }
0x23: {  	[sflag:s18] =	ssyncadd.s32 $0xFFFFE000  }
0x24: {  	[spmem:s11] =	stream.linear.scatter [tilespmem:s17], [sflag:$0x2], $0x2000, $0x38;
	[tilespmem:$0x181C0] =	vst v63  }
0x25: {  	_ =	swait.ge [sflag:s18], $0x2000  }
0x26: {  	[sflag:s18] =	ssyncset.done $0x0  }
0x27: {  	[sflag:s18] =	ssyncadd.s32 $0xFFFFE000  }
0x28: {  	[spmem:s12] =	stream.linear.scatter [tilespmem:s17], [sflag:$0x2], $0x2000, $0x38;
	[tilespmem:$0x181C0] =	vst v63  }
0x29: {  	_ =	swait.ge [sflag:s18], $0x2000  }
0x2a: {  	[sflag:s18] =	ssyncset.done $0x0  }
0x2b: {  	[sflag:s18] =	ssyncadd.s32 $0xFFFFE000  }
0x2c: {  	[spmem:s13] =	stream.linear.scatter [tilespmem:s17], [sflag:$0x2], $0x2000, $0x38;
	[tilespmem:$0x181C0] =	vst v63  }
0x2d: {  	_ =	swait.ge [sflag:s18], $0x2000  }
0x2e: {  	[sflag:s18] =	ssyncset.done $0x0  }
0x2f: {  	[sflag:s18] =	ssyncadd.s32 $0xFFFFE000  }
0x30: {  	s26 =	simm.s32 $0x0;
	s28 =	simm.s32 $0x0;
	[bflag:$0x0] =	sbarrier.arrive $0xFFFF  }
.LBB2_4:
0x31: {  	s29 =	sshll.u32 s28, $0x7  }
0x32: {  	s29 =	sadd.s32 s9, s29  }
0x33: {  	s29 =	sshrl.u32 s29, $0x3  }
0x34: {  	s30 =	sadd.s32 s2, s29  }
0x35: {  	[tilespmem:s26], [sflag:$0x2] =	stream.linear.gather [hbm4b:s30+s26], $0x80, $0x38;
	[tilespmem:$0x181C0] =	vst v63  }
0x36: {  	_ =	swait.ge [sflag:s18], $0x80  }
0x37: {  	[sflag:s18] =	ssyncset.done $0x0  }
0x38: {  	s30 =	sadd.s32 s6, s29;
	[sflag:s18] =	ssyncadd.s32 $0xFFFFFF80  }
0x39: {  	[tilespmem:s19], [sflag:$0x2] =	stream.linear.gather [hbm4b:s30+s26], $0x80, $0x38;
	[tilespmem:$0x181C0] =	vst v63  }
0x3a: {  	_ =	swait.ge [sflag:s18], $0x80  }
0x3b: {  	[sflag:s18] =	ssyncset.done $0x0  }
0x3c: {  	s29 =	sadd.s32 s7, s29;
	[sflag:s18] =	ssyncadd.s32 $0xFFFFFF80  }
0x3d: {  	[tilespmem:s20], [sflag:$0x2] =	stream.linear.gather [hbm4b:s29+s26], $0x80, $0x38;
	[tilespmem:$0x181C0] =	vst v63  }
0x3e: {  	_ =	swait.ge [sflag:s18], $0x80  }
0x3f: {  	[sflag:s18] =	ssyncset.done $0x0  }
0x40: {  	[sflag:s18] =	ssyncadd.s32 $0xFFFFFF80  }
0x41: {  	v18 =	vld [tilespmem:$0x0]  }
0x42: {  	v19 =	vld [tilespmem:$0x10]  }
0x43: {  	v20 =	vld [tilespmem:$0x20]  }
0x44: {  	v21 =	vld [tilespmem:$0x30]  }
0x45: {  	v22 =	vld [tilespmem:$0x40]  }
0x46: {  	v23 =	vld [tilespmem:$0x50];
	v18 =	vadd.s32 v0, v18  }
0x47: {  	[tilespmem:$0x0] =	vst v18;
	v18 =	vadd.s32 v0, v19;
	v19 =	vld [tilespmem:$0x60]  }
0x48: {  	v63 =	vld [tilespmem:$0x70];
	[tilespmem:$0x10] =	vst v18;
	v18 =	vadd.s32 v0, v20  }
0x49: {  	[tilespmem:$0x20] =	vst v18;
	v18 =	vadd.s32 v0, v21  }
0x4a: {  	[tilespmem:$0x30] =	vst v18;
	v18 =	vadd.s32 v0, v22  }
0x4b: {  	[tilespmem:$0x40] =	vst v18;
	v18 =	vadd.s32 v0, v23  }
0x4c: {  	[tilespmem:$0x50] =	vst v18;
	v18 =	vadd.s32 v0, v19  }
0x4d: {  	[tilespmem:$0x60] =	vst v18;
	v18 =	vadd.s32 v0, v63  }
0x4e: {  	[tilespmem:$0x70] =	vst v18  }
0x4f: {  	[tilespmem:s21], [sflag:$0x1] =	stream.indirect.gather [hbm4b:s1+s19], $0x40, s26, s19, $0xb8;
	[tilespmem:$0x181C0] =	vst v63  }
0x50: {  	_ =	swait.ge [sflag:s22], $0x2000  }
0x51: {  	[sflag:s22] =	ssyncset.done $0x0  }
0x52: {  	s30 =	simm.s32 $0x0;
	s29 =	simm.s32 $0x380;
	[sflag:s22] =	ssyncadd.s32 $0xFFFFE000  }
.LBB2_5:
0x53: {  	s31 =	sshra.s32 s30, $0x2  }
0x54: {  	v18 =	vld [tilespmem:s31+$0x100];
	_ =	sdelay $0x1  }
0x55: {  	v19 =	vld [tilespmem:s29+$0xFFFFFE00];
	_ =	sdelay $0x2  }
0x56: {  	v20 =	vperm.xlane v18, v2;
	_ =	sdelay $0x1  }
0x57: {  	v19 =	vmul.f32 v19, v20;
	_ =	sdelay $0x1  }
0x58: {  	[tilespmem:s29+$0xFFFFFE00] =	vst v19;
	v19 =	vld [tilespmem:s29+$0xFFFFFE10];
	_ =	sdelay $0x4  }
0x59: {  	v19 =	vmul.f32 v19, v20;
	_ =	sdelay $0x1  }
0x5a: {  	[tilespmem:s29+$0xFFFFFE10] =	vst v19;
	v19 =	vld [tilespmem:s29+$0xFFFFFE20];
	_ =	sdelay $0x4  }
0x5b: {  	v19 =	vmul.f32 v19, v20;
	_ =	sdelay $0x1  }
0x5c: {  	[tilespmem:s29+$0xFFFFFE20] =	vst v19;
	v19 =	vld [tilespmem:s29+$0xFFFFFE30];
	_ =	sdelay $0x4  }
0x5d: {  	v19 =	vmul.f32 v19, v20;
	_ =	sdelay $0x1  }
0x5e: {  	[tilespmem:s29+$0xFFFFFE30] =	vst v19;
	v19 =	vld [tilespmem:s29+$0xFFFFFE40];
	_ =	sdelay $0x2  }
0x5f: {  	v50 =	vperm.xlane v18, v3;
	_ =	sdelay $0x1  }
0x60: {  	v19 =	vmul.f32 v19, v50;
	_ =	sdelay $0x1  }
0x61: {  	[tilespmem:s29+$0xFFFFFE40] =	vst v19;
	v19 =	vld [tilespmem:s29+$0xFFFFFE50];
	_ =	sdelay $0x4  }
0x62: {  	v19 =	vmul.f32 v19, v50;
	_ =	sdelay $0x1  }
0x63: {  	[tilespmem:s29+$0xFFFFFE50] =	vst v19;
	v19 =	vld [tilespmem:s29+$0xFFFFFE60];
	_ =	sdelay $0x4  }
0x64: {  	v19 =	vmul.f32 v19, v50;
	_ =	sdelay $0x1  }
0x65: {  	[tilespmem:s29+$0xFFFFFE60] =	vst v19;
	v19 =	vld [tilespmem:s29+$0xFFFFFE70];
	_ =	sdelay $0x4  }
0x66: {  	v19 =	vmul.f32 v19, v50;
	_ =	sdelay $0x1  }
0x67: {  	[tilespmem:s29+$0xFFFFFE70] =	vst v19;
	v19 =	vld [tilespmem:s29+$0xFFFFFE80];
	_ =	sdelay $0x2  }
0x68: {  	v51 =	vperm.xlane v18, v4;
	_ =	sdelay $0x1  }
0x69: {  	v19 =	vmul.f32 v19, v51;
	_ =	sdelay $0x1  }
0x6a: {  	[tilespmem:s29+$0xFFFFFE80] =	vst v19;
	v19 =	vld [tilespmem:s29+$0xFFFFFE90];
	_ =	sdelay $0x4  }
0x6b: {  	v19 =	vmul.f32 v19, v51;
	_ =	sdelay $0x1  }
0x6c: {  	[tilespmem:s29+$0xFFFFFE90] =	vst v19;
	v19 =	vld [tilespmem:s29+$0xFFFFFEA0];
	_ =	sdelay $0x4  }
0x6d: {  	v19 =	vmul.f32 v19, v51;
	_ =	sdelay $0x1  }
0x6e: {  	[tilespmem:s29+$0xFFFFFEA0] =	vst v19;
	v19 =	vld [tilespmem:s29+$0xFFFFFEB0];
	_ =	sdelay $0x4  }
0x6f: {  	v19 =	vmul.f32 v19, v51;
	_ =	sdelay $0x1  }
0x70: {  	[tilespmem:s29+$0xFFFFFEB0] =	vst v19;
	v19 =	vld [tilespmem:s29+$0xFFFFFEC0];
	_ =	sdelay $0x2  }
0x71: {  	v52 =	vperm.xlane v18, v5;
	_ =	sdelay $0x1  }
0x72: {  	v19 =	vmul.f32 v19, v52;
	_ =	sdelay $0x1  }
0x73: {  	[tilespmem:s29+$0xFFFFFEC0] =	vst v19;
	v19 =	vld [tilespmem:s29+$0xFFFFFED0];
	_ =	sdelay $0x4  }
0x74: {  	v19 =	vmul.f32 v19, v52;
	_ =	sdelay $0x1  }
0x75: {  	[tilespmem:s29+$0xFFFFFED0] =	vst v19;
	v19 =	vld [tilespmem:s29+$0xFFFFFEE0];
	_ =	sdelay $0x4  }
0x76: {  	v19 =	vmul.f32 v19, v52;
	_ =	sdelay $0x1  }
0x77: {  	[tilespmem:s29+$0xFFFFFEE0] =	vst v19;
	v19 =	vld [tilespmem:s29+$0xFFFFFEF0];
	_ =	sdelay $0x4  }
0x78: {  	v19 =	vmul.f32 v19, v52;
	_ =	sdelay $0x1  }
0x79: {  	[tilespmem:s29+$0xFFFFFEF0] =	vst v19;
	v19 =	vld [tilespmem:s29+$0xFFFFFF00];
	_ =	sdelay $0x2  }
0x7a: {  	v53 =	vperm.xlane v18, v6;
	_ =	sdelay $0x1  }
0x7b: {  	v19 =	vmul.f32 v19, v53;
	_ =	sdelay $0x1  }
0x7c: {  	[tilespmem:s29+$0xFFFFFF00] =	vst v19;
	v19 =	vld [tilespmem:s29+$0xFFFFFF10];
	_ =	sdelay $0x4  }
0x7d: {  	v19 =	vmul.f32 v19, v53;
	_ =	sdelay $0x1  }
0x7e: {  	[tilespmem:s29+$0xFFFFFF10] =	vst v19;
	v19 =	vld [tilespmem:s29+$0xFFFFFF20];
	_ =	sdelay $0x4  }
0x7f: {  	v19 =	vmul.f32 v19, v53;
	_ =	sdelay $0x1  }
0x80: {  	[tilespmem:s29+$0xFFFFFF20] =	vst v19;
	v19 =	vld [tilespmem:s29+$0xFFFFFF30];
	_ =	sdelay $0x4  }
0x81: {  	v19 =	vmul.f32 v19, v53;
	_ =	sdelay $0x1  }
0x82: {  	[tilespmem:s29+$0xFFFFFF30] =	vst v19;
	v19 =	vld [tilespmem:s29+$0xFFFFFF40];
	_ =	sdelay $0x2  }
0x83: {  	v54 =	vperm.xlane v18, v7;
	_ =	sdelay $0x1  }
0x84: {  	v19 =	vmul.f32 v19, v54;
	_ =	sdelay $0x1  }
0x85: {  	[tilespmem:s29+$0xFFFFFF40] =	vst v19;
	v19 =	vld [tilespmem:s29+$0xFFFFFF50];
	_ =	sdelay $0x4  }
0x86: {  	v19 =	vmul.f32 v19, v54;
	_ =	sdelay $0x1  }
0x87: {  	[tilespmem:s29+$0xFFFFFF50] =	vst v19;
	v19 =	vld [tilespmem:s29+$0xFFFFFF60];
	_ =	sdelay $0x4  }
0x88: {  	v19 =	vmul.f32 v19, v54;
	_ =	sdelay $0x1  }
0x89: {  	[tilespmem:s29+$0xFFFFFF60] =	vst v19;
	v19 =	vld [tilespmem:s29+$0xFFFFFF70];
	_ =	sdelay $0x4  }
0x8a: {  	v19 =	vmul.f32 v19, v54;
	_ =	sdelay $0x1  }
0x8b: {  	[tilespmem:s29+$0xFFFFFF70] =	vst v19;
	v19 =	vld [tilespmem:s29+$0xFFFFFF80];
	_ =	sdelay $0x2  }
0x8c: {  	v55 =	vperm.xlane v18, v8;
	_ =	sdelay $0x1  }
0x8d: {  	v19 =	vmul.f32 v19, v55;
	_ =	sdelay $0x1  }
0x8e: {  	[tilespmem:s29+$0xFFFFFF80] =	vst v19;
	v19 =	vld [tilespmem:s29+$0xFFFFFF90];
	_ =	sdelay $0x4  }
0x8f: {  	v19 =	vmul.f32 v19, v55;
	_ =	sdelay $0x1  }
0x90: {  	[tilespmem:s29+$0xFFFFFF90] =	vst v19;
	v19 =	vld [tilespmem:s29+$0xFFFFFFA0];
	_ =	sdelay $0x4  }
0x91: {  	v19 =	vmul.f32 v19, v55;
	_ =	sdelay $0x1  }
0x92: {  	[tilespmem:s29+$0xFFFFFFA0] =	vst v19;
	v19 =	vld [tilespmem:s29+$0xFFFFFFB0];
	_ =	sdelay $0x4  }
0x93: {  	v19 =	vmul.f32 v19, v55;
	_ =	sdelay $0x1  }
0x94: {  	[tilespmem:s29+$0xFFFFFFB0] =	vst v19;
	v19 =	vld [tilespmem:s29+$0xFFFFFFC0];
	_ =	sdelay $0x2  }
0x95: {  	v56 =	vperm.xlane v18, v9;
	_ =	sdelay $0x1  }
0x96: {  	v19 =	vmul.f32 v19, v56;
	_ =	sdelay $0x1  }
0x97: {  	[tilespmem:s29+$0xFFFFFFC0] =	vst v19;
	v19 =	vld [tilespmem:s29+$0xFFFFFFD0];
	_ =	sdelay $0x4  }
0x98: {  	v19 =	vmul.f32 v19, v56;
	_ =	sdelay $0x1  }
0x99: {  	[tilespmem:s29+$0xFFFFFFD0] =	vst v19;
	v19 =	vld [tilespmem:s29+$0xFFFFFFE0];
	_ =	sdelay $0x4  }
0x9a: {  	v19 =	vmul.f32 v19, v56;
	_ =	sdelay $0x1  }
0x9b: {  	[tilespmem:s29+$0xFFFFFFE0] =	vst v19;
	v19 =	vld [tilespmem:s29+$0xFFFFFFF0];
	_ =	sdelay $0x4  }
0x9c: {  	v19 =	vmul.f32 v19, v56;
	_ =	sdelay $0x1  }
0x9d: {  	[tilespmem:s29+$0xFFFFFFF0] =	vst v19;
	v19 =	vld [tilespmem:s29+$0x0];
	_ =	sdelay $0x2  }
0x9e: {  	v57 =	vperm.xlane v18, v10;
	_ =	sdelay $0x1  }
0x9f: {  	v19 =	vmul.f32 v19, v57;
	_ =	sdelay $0x1  }
0xa0: {  	[tilespmem:s29+$0x0] =	vst v19;
	v19 =	vld [tilespmem:s29+$0x10];
	_ =	sdelay $0x4  }
0xa1: {  	v19 =	vmul.f32 v19, v57;
	_ =	sdelay $0x1  }
0xa2: {  	[tilespmem:s29+$0x10] =	vst v19;
	v19 =	vld [tilespmem:s29+$0x20];
	_ =	sdelay $0x4  }
0xa3: {  	v19 =	vmul.f32 v19, v57;
	_ =	sdelay $0x1  }
0xa4: {  	[tilespmem:s29+$0x20] =	vst v19;
	v19 =	vld [tilespmem:s29+$0x30];
	_ =	sdelay $0x4  }
0xa5: {  	v19 =	vmul.f32 v19, v57;
	_ =	sdelay $0x1  }
0xa6: {  	[tilespmem:s29+$0x30] =	vst v19;
	v19 =	vld [tilespmem:s29+$0x40];
	_ =	sdelay $0x2  }
0xa7: {  	v58 =	vperm.xlane v18, v11;
	_ =	sdelay $0x1  }
0xa8: {  	v19 =	vmul.f32 v19, v58;
	_ =	sdelay $0x1  }
0xa9: {  	[tilespmem:s29+$0x40] =	vst v19;
	v19 =	vld [tilespmem:s29+$0x50];
	_ =	sdelay $0x4  }
0xaa: {  	v19 =	vmul.f32 v19, v58;
	_ =	sdelay $0x1  }
0xab: {  	[tilespmem:s29+$0x50] =	vst v19;
	v19 =	vld [tilespmem:s29+$0x60];
	_ =	sdelay $0x4  }
0xac: {  	v19 =	vmul.f32 v19, v58;
	_ =	sdelay $0x1  }
0xad: {  	[tilespmem:s29+$0x60] =	vst v19;
	v19 =	vld [tilespmem:s29+$0x70];
	_ =	sdelay $0x4  }
0xae: {  	v19 =	vmul.f32 v19, v58;
	_ =	sdelay $0x1  }
0xaf: {  	[tilespmem:s29+$0x70] =	vst v19;
	v19 =	vld [tilespmem:s29+$0x80];
	_ =	sdelay $0x2  }
0xb0: {  	v59 =	vperm.xlane v18, v12;
	_ =	sdelay $0x1  }
0xb1: {  	v19 =	vmul.f32 v19, v59;
	_ =	sdelay $0x1  }
0xb2: {  	[tilespmem:s29+$0x80] =	vst v19;
	v19 =	vld [tilespmem:s29+$0x90];
	_ =	sdelay $0x4  }
0xb3: {  	v19 =	vmul.f32 v19, v59;
	_ =	sdelay $0x1  }
0xb4: {  	[tilespmem:s29+$0x90] =	vst v19;
	v19 =	vld [tilespmem:s29+$0xA0];
	_ =	sdelay $0x4  }
0xb5: {  	v19 =	vmul.f32 v19, v59;
	_ =	sdelay $0x1  }
0xb6: {  	[tilespmem:s29+$0xA0] =	vst v19;
	v19 =	vld [tilespmem:s29+$0xB0];
	_ =	sdelay $0x4  }
0xb7: {  	v19 =	vmul.f32 v19, v59;
	_ =	sdelay $0x1  }
0xb8: {  	[tilespmem:s29+$0xB0] =	vst v19;
	v19 =	vld [tilespmem:s29+$0xC0];
	_ =	sdelay $0x2  }
0xb9: {  	v60 =	vperm.xlane v18, v13;
	_ =	sdelay $0x1  }
0xba: {  	v19 =	vmul.f32 v19, v60;
	_ =	sdelay $0x1  }
0xbb: {  	[tilespmem:s29+$0xC0] =	vst v19;
	v19 =	vld [tilespmem:s29+$0xD0];
	_ =	sdelay $0x4  }
0xbc: {  	v19 =	vmul.f32 v19, v60;
	_ =	sdelay $0x1  }
0xbd: {  	[tilespmem:s29+$0xD0] =	vst v19;
	v19 =	vld [tilespmem:s29+$0xE0];
	_ =	sdelay $0x4  }
0xbe: {  	v19 =	vmul.f32 v19, v60;
	_ =	sdelay $0x1  }
0xbf: {  	[tilespmem:s29+$0xE0] =	vst v19;
	v19 =	vld [tilespmem:s29+$0xF0];
	_ =	sdelay $0x4  }
0xc0: {  	v19 =	vmul.f32 v19, v60;
	_ =	sdelay $0x1  }
0xc1: {  	[tilespmem:s29+$0xF0] =	vst v19;
	v19 =	vld [tilespmem:s29+$0x100];
	_ =	sdelay $0x2  }
0xc2: {  	v61 =	vperm.xlane v18, v14;
	_ =	sdelay $0x1  }
0xc3: {  	v19 =	vmul.f32 v19, v61;
	_ =	sdelay $0x1  }
0xc4: {  	[tilespmem:s29+$0x100] =	vst v19;
	v19 =	vld [tilespmem:s29+$0x110];
	_ =	sdelay $0x4  }
0xc5: {  	v19 =	vmul.f32 v19, v61;
	_ =	sdelay $0x1  }
0xc6: {  	[tilespmem:s29+$0x110] =	vst v19;
	v19 =	vld [tilespmem:s29+$0x120];
	_ =	sdelay $0x4  }
0xc7: {  	v19 =	vmul.f32 v19, v61;
	_ =	sdelay $0x1  }
0xc8: {  	[tilespmem:s29+$0x120] =	vst v19;
	v19 =	vld [tilespmem:s29+$0x130];
	_ =	sdelay $0x4  }
0xc9: {  	v19 =	vmul.f32 v19, v61;
	_ =	sdelay $0x1  }
0xca: {  	[tilespmem:s29+$0x130] =	vst v19;
	v19 =	vld [tilespmem:s29+$0x140];
	_ =	sdelay $0x2  }
0xcb: {  	v62 =	vperm.xlane v18, v15;
	_ =	sdelay $0x1  }
0xcc: {  	v19 =	vmul.f32 v19, v62;
	_ =	sdelay $0x1  }
0xcd: {  	[tilespmem:s29+$0x140] =	vst v19;
	v19 =	vld [tilespmem:s29+$0x150];
	_ =	sdelay $0x4  }
0xce: {  	v19 =	vmul.f32 v19, v62;
	_ =	sdelay $0x1  }
0xcf: {  	[tilespmem:s29+$0x150] =	vst v19;
	v19 =	vld [tilespmem:s29+$0x160];
	_ =	sdelay $0x4  }
0xd0: {  	v19 =	vmul.f32 v19, v62;
	_ =	sdelay $0x1  }
0xd1: {  	[tilespmem:s29+$0x160] =	vst v19;
	v19 =	vld [tilespmem:s29+$0x170];
	_ =	sdelay $0x4  }
0xd2: {  	v19 =	vmul.f32 v19, v62;
	_ =	sdelay $0x1  }
0xd3: {  	[tilespmem:s29+$0x170] =	vst v19;
	v19 =	vld [tilespmem:s29+$0x180];
	_ =	sdelay $0x2  }
0xd4: {  	v63 =	vperm.xlane v18, v16;
	_ =	sdelay $0x1  }
0xd5: {  	v19 =	vmul.f32 v19, v63;
	_ =	sdelay $0x1  }
0xd6: {  	[tilespmem:s29+$0x180] =	vst v19;
	v19 =	vld [tilespmem:s29+$0x190];
	_ =	sdelay $0x4  }
0xd7: {  	v19 =	vmul.f32 v19, v63;
	_ =	sdelay $0x1  }
0xd8: {  	[tilespmem:s29+$0x190] =	vst v19;
	v19 =	vld [tilespmem:s29+$0x1A0];
	_ =	sdelay $0x4  }
0xd9: {  	v19 =	vmul.f32 v19, v63;
	_ =	sdelay $0x1  }
0xda: {  	[tilespmem:s29+$0x1A0] =	vst v19;
	v19 =	vld [tilespmem:s29+$0x1B0];
	_ =	sdelay $0x4  }
0xdb: {  	v19 =	vmul.f32 v19, v63;
	_ =	sdelay $0x1  }
0xdc: {  	[tilespmem:s29+$0x1B0] =	vst v19;
	v19 =	vld [tilespmem:s29+$0x1C0];
	_ =	sdelay $0x2  }
0xdd: {  	v18 =	vperm.xlane v18, v17;
	_ =	sdelay $0x1  }
0xde: {  	v19 =	vmul.f32 v19, v18;
	_ =	sdelay $0x1  }
0xdf: {  	[tilespmem:s29+$0x1C0] =	vst v19;
	v19 =	vld [tilespmem:s29+$0x1D0];
	_ =	sdelay $0x4  }
0xe0: {  	v19 =	vmul.f32 v19, v18;
	_ =	sdelay $0x1  }
0xe1: {  	[tilespmem:s29+$0x1D0] =	vst v19;
	v19 =	vld [tilespmem:s29+$0x1E0];
	_ =	sdelay $0x4  }
0xe2: {  	v19 =	vmul.f32 v19, v18;
	_ =	sdelay $0x1  }
0xe3: {  	[tilespmem:s29+$0x1E0] =	vst v19;
	v19 =	vld [tilespmem:s29+$0x1F0];
	_ =	sdelay $0x1  }
0xe4: {  	p0 =	sne.s32 s30, $0x1C0  }
.Ltmp1:
0xe5: {  	_ = 	snop;
	(pc) =	sbr.rel @p0 .LBB2_5-.Ltmp1, $3  }
0xe6: {  	_ = 	snop  }
0xe7: {  	v18 =	vmul.f32 v19, v18;
	_ =	sdelay $0x1  }
0xe8: {  	s30 =	sadd.s32 $0x40, s30;
	[tilespmem:s29+$0x1F0] =	vst v18;
	s29 =	sadd.s32 $0x400, s29  }
0xe9: {  	s28 =	sadd.s32 $0x1, s28  }
0xea: {  	p0 =	sne.s32 s28, $0x9D  }
.Ltmp2:
0xeb: {  	_ = 	snop;
	(pc) =	sbr.rel @p0 .LBB2_4-.Ltmp2, $4  }
0xec: {  	[spmem:s4] =	stream.indirect.scatter.add.f32 [tilespmem:s21], [sflag:$0x2], $0x40, s19, s19, $0xb8;
	[tilespmem:$0x181C0] =	vst v63  }
0xed: {  	_ =	swait.ge [sflag:s18], $0x2000  }
0xee: {  	[sflag:s18] =	ssyncset.done $0x0  }
0xef: {  	[sflag:s18] =	ssyncadd.s32 $0xFFFFE000  }
0xf0: {  	[bflag:$0x0] =	sbarrier.arrive $0xFFFF;
	s26 =	simm.s32 $0x0  }
0xf1: {  	[tilespmem:s23], [sflag:$0x2] =	stream.linear.gather [hbm4b:s14+s26], $0x40, $0x38;
	[tilespmem:$0x181C0] =	vst v63  }
0xf2: {  	_ =	swait.ge [sflag:s18], $0x40  }
0xf3: {  	[sflag:s18] =	ssyncset.done $0x0  }
0xf4: {  	[sflag:s18] =	ssyncadd.s32 $0xFFFFFFC0  }
0xf5: {  	[tilespmem:s24], [sflag:$0x2] =	stream.linear.gather [spmem:s8], $0xA000, $0x38;
	[tilespmem:$0x181C0] =	vst v63  }
0xf6: {  	_ =	swait.ge [sflag:s18], $0xA000  }
0xf7: {  	[sflag:s18] =	ssyncset.done $0x0  }
0xf8: {  	s26 =	simm.s32 $0x0;
	[sflag:s18] =	ssyncadd.s32 $0xFFFF6000  }
0xf9: {  	s28 =	simm.s32 $0x100;
	v18 =	vld [tilespmem:s26+$0xE180]  }
.LBB2_8:
0xfa: {  	p0 =	sne.s32 s28, $0x27F00;
	v19 =	vld [tilespmem:$0x18180];
	_ =	sdelay $0x4  }
0xfb: {  	v18 =	vmul.f32 v18, v19;
	_ =	sdelay $0x1  }
0xfc: {  	v18 =	vmax.f32 v18, $0.0e+00  }
0xfd: {  	[tilespmem:s26+$0xE180] =	vst v18;
	v18 =	vld [tilespmem:s26+$0xE190]  }
0xfe: {  	v19 =	vld [tilespmem:$0x18190];
	_ =	sdelay $0x4  }
0xff: {  	v18 =	vmul.f32 v18, v19;
	_ =	sdelay $0x1  }
0x100: {  	v18 =	vmax.f32 v18, $0.0e+00  }
0x101: {  	[tilespmem:s26+$0xE190] =	vst v18;
	v18 =	vld [tilespmem:s26+$0xE1A0]  }
0x102: {  	v19 =	vld [tilespmem:$0x181A0];
	_ =	sdelay $0x4  }
0x103: {  	v18 =	vmul.f32 v18, v19;
	_ =	sdelay $0x1  }
0x104: {  	v18 =	vmax.f32 v18, $0.0e+00  }
0x105: {  	[tilespmem:s26+$0xE1A0] =	vst v18;
	v18 =	vld [tilespmem:s26+$0xE1B0]  }
0x106: {  	v19 =	vld [tilespmem:$0x181B0];
	_ =	sdelay $0x3  }
.Ltmp3:
0x107: {  	(pc) =	sbr.rel @p0 .LBB2_8-.Ltmp3, $3  }
0x108: {  	v18 =	vmul.f32 v18, v19;
	_ =	sdelay $0x1  }
0x109: {  	s29 =	sshra.s32 s28, $0x2;
	v19 =	vmax.f32 v18, $0.0e+00  }
0x10a: {  	s28 =	sadd.s32 $0x100, s28;
	v18 =	vld [tilespmem:s29+$0xE180];
	[tilespmem:s26+$0xE1B0] =	vst v19;
	s26 =	smov.u32 s29  }
0x10b: {  	v19 =	vld [tilespmem:$0x18180];
	_ =	sdelay $0x4  }
0x10c: {  	v18 =	vmul.f32 v18, v19;
	_ =	sdelay $0x1  }
0x10d: {  	v18 =	vmax.f32 v18, $0.0e+00  }
0x10e: {  	[tilespmem:s26+$0xE180] =	vst v18;
	v18 =	vld [tilespmem:s26+$0xE190]  }
0x10f: {  	v19 =	vld [tilespmem:$0x18190];
	_ =	sdelay $0x4  }
0x110: {  	v18 =	vmul.f32 v18, v19;
	_ =	sdelay $0x1  }
0x111: {  	v18 =	vmax.f32 v18, $0.0e+00  }
0x112: {  	[tilespmem:s26+$0xE190] =	vst v18;
	v18 =	vld [tilespmem:s26+$0xE1A0]  }
0x113: {  	v19 =	vld [tilespmem:$0x181A0];
	_ =	sdelay $0x4  }
0x114: {  	v18 =	vmul.f32 v18, v19;
	_ =	sdelay $0x1  }
0x115: {  	v18 =	vmax.f32 v18, $0.0e+00  }
0x116: {  	[tilespmem:s26+$0xE1A0] =	vst v18;
	v18 =	vld [tilespmem:s26+$0xE1B0]  }
0x117: {  	v19 =	vld [tilespmem:$0x181B0];
	_ =	sdelay $0x4  }
0x118: {  	v18 =	vmul.f32 v18, v19  }
0x119: {  	s25 =	sadd.s32 $0x1, s25  }
0x11a: {  	p0 =	sne.s32 s25, s16;
	v18 =	vmax.f32 v18, $0.0e+00  }
.Ltmp4:
0x11b: {  	[tilespmem:s26+$0xE1B0] =	vst v18;
	(pc) =	sbr.rel @p0 .LBB2_1-.Ltmp4, $4  }
0x11c: {  	[hbm4b:s15+s5] =	stream.linear.scatter [tilespmem:s24], [sflag:$0x2], $0xA000, $0x38;
	[tilespmem:$0x181C0] =	vst v63  }
0x11d: {  	_ =	swait.ge [sflag:s18], $0xA000  }
0x11e: {  	[sflag:s18] =	ssyncset.done $0x0  }
0x11f: {  	[sflag:s18] =	ssyncadd.s32 $0xFFFF6000  }
0x120: {  	_ =	sfence.sel $0x180000  }
0x121: {  	[bflag:$0x0] =	sbarrier.arrive $0xFFFF  }
0x122: {  	p0 =	sne.s32 s3, $0x0;
	_ =	strace $0x90000047  }
0x123: {  	s0 =	sadd.s32 @!p0 $0x100000, s0;
	[bflag:$0x2] =	sbarrier.arrive $0xFFFF  }
0x124: {  	[sflag:s0] =	ssyncadd.tile.s32 @!p0 $0x1;
	_ =	shalt  }
.Lfunc_end2:
_tile_overlayer_lowered:
.L_overlay_start_2:
0x125: {  	(tag) =	ssettag $0x2  }
0x126: {  	s0 =	rddreg [dreg:$0x0];
	s2 =	stileid.u32  }
0x127: {  	s1 =	rddreg [dreg:$0x1];
	p0 =	sne.s32 s2, $0x0  }
0x128: {  	s3 =	rddreg [dreg:$0x2];
	[bflag:$0x3] =	sbarrier.arrive $0xFFFF;
	s2 =	simm.s32 @!p0 $0x1C02  }
0x129: {  	[timem:s3], [sflag:s2] =	dma.local @!p0 [hbm:s0], s1  }
0x12a: {  	s0 =	simm.s32 @!p0 $0x2  }
0x12b: {  	_ =	swait.ge @!p0 [sflag:s0], s1  }
0x12c: {  	s1 =	ssub.s32 @!p0 $0x0, s1;
	[sflag:s0] =	ssyncset.done @!p0 $0x0  }
0x12d: {  	[sflag:s0] =	ssyncadd.s32 @!p0 s1  }
0x12e: {  	[bflag:$0x3] =	sbarrier.arrive $0xFFFF  }
0x12f: {  	_ =	shalt  }

</sc_bundles>
